<compile_context>
chip_gen: v7x
topology: tpu7x:2x2x1
jax: 0.10.2.dev20260603
libtpu: 0.0.44.dev20260713+nightly
codegen_flags: <defaults>
</compile_context>

<pallas_src>
import functools

import jax
import jax.numpy as jnp
from jax import lax
from jax.experimental import pallas as pl
from jax.experimental.pallas import tpu as pltpu
from jax.experimental.pallas import tpu_sc as plsc

_ALPHA = 0.2
_BETA = 0.2
_GAMMA = 0.2
_DELTA = 1.0
_EPS = 1e-6


def _stage1_kernel(logits_ref, tcol_ref, hi_ref, mid_ref, st_ref,
                   scol_ref, hist_ref):
    x = logits_ref[...]
    m = jnp.max(x, axis=1, keepdims=True)
    e = jnp.exp(x - m)
    z = jnp.sum(e, axis=1, keepdims=True)
    sc = e / z
    hi = sc.astype(jnp.bfloat16)
    r = sc - hi.astype(jnp.float32)
    hi_ref[...] = hi
    mid_ref[...] = r.astype(jnp.bfloat16)
    st_ref[...] = jnp.transpose(sc)
    rb, cp = x.shape
    iota_c = lax.broadcasted_iota(jnp.int32, (rb, cp), 1)
    oh = (iota_c == tcol_ref[...]).astype(jnp.float32)
    scol_ref[...] = jnp.sum(sc * oh, axis=1, keepdims=True)
    hpart = jnp.sum(oh, axis=0, keepdims=True)

    @pl.when(pl.program_id(0) == 0)
    def _init():
        hist_ref[...] = hpart

    @pl.when(pl.program_id(0) != 0)
    def _acc():
        hist_ref[...] = hist_ref[...] + hpart


def _sc_count_kernel(st_hbm, s_hbm, t_hbm, out_hbm, mys_ref, myt_ref,
                     rows0_ref, rows1_ref, myq_ref, acc_ref, sem0, sem1, *,
                     batch, per, unroll):
    nc = 2
    wid = lax.axis_index("s") * nc + lax.axis_index("c")
    base = wid * per
    pltpu.sync_copy(s_hbm.at[pl.ds(base, per)], mys_ref)
    pltpu.sync_copy(t_hbm.at[pl.ds(base, per)], myt_ref)
    iota16 = lax.iota(jnp.int32, 16)
    zeros16 = jnp.zeros((16,), jnp.int32)
    ones16 = jnp.ones((16,), jnp.float32)
    zf16 = jnp.zeros((16,), jnp.float32)
    dn0 = lax.GatherDimensionNumbers(offset_dims=(),
                                     collapsed_slice_dims=(0,),
                                     start_index_map=(0,))
    grp = 8
    ngrp = per // grp
    npairs = ngrp // 2

    def _issue(g, rows_ref, sem):
        return pltpu.async_copy(st_hbm.at[myt_ref.at[pl.ds(g * grp, grp)]],
                                rows_ref, sem)

    def _process(rows_ref, g):
        schunk = mys_ref[pl.ds((g // 2) * 16, 16)]
        lbase = (g % 2) * grp

        def sbody(r, _s):
            m = g * grp + r
            s_splat = lax.gather(schunk, (zeros16 + (lbase + r)).reshape(
                16, 1), dn0, (1,),
                mode=lax.GatherScatterMode.PROMISE_IN_BOUNDS)
            gi = base + m
            acc_ref[...] = zf16

            def cbody(cc, _c):
                tot = zf16
                for u in range(unroll):
                    ch = cc * unroll + u
                    v = rows_ref[r, pl.ds(ch * 16, 16)]
                    jv = iota16 + ch * 16
                    gt = v > s_splat
                    tie = (v == s_splat) & (jv < gi)
                    tot = tot + jnp.where(gt | tie, ones16, zf16)
                acc_ref[...] = acc_ref[...] + tot
                return 0

            lax.fori_loop(0, batch // (16 * unroll), cbody, 0)
            myq_ref[pl.ds(m * 16, 16)] = acc_ref[...]
            return 0

        lax.fori_loop(0, grp, sbody, 0)

    _issue(0, rows0_ref, sem0)

    def pbody(p, _):
        pltpu.make_async_copy(st_hbm.at[myt_ref.at[pl.ds(0, grp)]],
                              rows0_ref, sem0).wait()
        _issue(2 * p + 1, rows1_ref, sem1)
        _process(rows0_ref, 2 * p)

        @pl.when(p < npairs - 1)
        def _next():
            _issue(2 * p + 2, rows0_ref, sem0)

        pltpu.make_async_copy(st_hbm.at[myt_ref.at[pl.ds(0, grp)]],
                              rows1_ref, sem1).wait()
        _process(rows1_ref, 2 * p + 1)
        return 0

    lax.fori_loop(0, npairs, pbody, 0)
    pltpu.sync_copy(myq_ref, out_hbm.at[pl.ds(base * 16, per * 16)])


def _tc_count_kernel(hi_ref, mid_ref, ticol_ref, srow_ref, qout_ref,
                     q_ref, oh_ref, *, blk, nblk, ioff):
    j = pl.program_id(0)
    i = pl.program_id(1)
    ig = i + ioff
    cp = hi_ref.shape[1]
    isl = pl.ds(i * blk, blk)

    @pl.when(j == 0)
    def _build_oh():
        oh_ref[isl, :] = (lax.broadcasted_iota(jnp.int32, (blk, cp), 1)
                          == ticol_ref[...]).astype(jnp.bfloat16)

    ohb = oh_ref[isl, :]
    dn = (((1,), (1,)), ((), ()))
    g_mat = (lax.dot_general(hi_ref[...], ohb, dn,
                             preferred_element_type=jnp.float32)
             + lax.dot_general(mid_ref[...], ohb, dn,
                               preferred_element_type=jnp.float32))
    s_i = srow_ref[...]

    def _store(q_part):
        qp = jnp.sum(q_part.astype(jnp.float32), axis=0, keepdims=True)

        @pl.when(j == 0)
        def _():
            q_ref[:, isl] = qp

        @pl.when(j != 0)
        def _():
            q_ref[:, isl] = q_ref[:, isl] + qp

    @pl.when(j < ig)
    def _before():
        _store(g_mat >= s_i)

    @pl.when(j > ig)
    def _after():
        _store(g_mat > s_i)

    @pl.when(j == ig)
    def _diag():
        jio = lax.broadcasted_iota(jnp.int32, (blk, blk), 0)
        iio = lax.broadcasted_iota(jnp.int32, (blk, blk), 1)
        _store(((g_mat > s_i) | ((g_mat == s_i) & (jio < iio)))
               & (jio != iio))

    @pl.when(j == nblk - 1)
    def _finish():
        qout_ref[...] = jnp.transpose(q_ref[:, isl])


def _final_kernel(qpart_ref, qtc_ref, ticol_ref, scol_ref, srow_ref,
                  trow_ref, hist_ref, acc_ref, *, blk, batch, num_classes,
                  nsc_blocks):
    i = pl.program_id(0)
    i0 = i * blk
    q_sc = jnp.sum(qpart_ref[...], axis=1, keepdims=True)
    q = jnp.where(i < nsc_blocks, q_sc, qtc_ref[...])
    s_i = scol_ref[...]
    t_i = ticol_ref[...]
    s_all = srow_ref[...]
    t_all = trow_ref[...]
    tmatch = t_i == t_all
    jv = lax.broadcasted_iota(jnp.int32, (blk, batch), 1)
    iv = i0 + lax.broadcasted_iota(jnp.int32, (blk, batch), 0)
    before = jv < iv
    mk = tmatch & ((s_all > s_i) | ((s_all == s_i) & before))
    k = jnp.sum(mk.astype(jnp.float32), axis=1, keepdims=True)
    p_i = jnp.sum(tmatch.astype(jnp.float32), axis=1, keepdims=True)
    bf = jnp.float32(batch)

    def g_of(x, p):
        return jnp.exp(_GAMMA * jnp.log(1.0 - x / (p + _EPS)))

    gk = g_of(k, p_i)
    gk1 = g_of(k + 1.0, p_i)
    t_q = q * (q + 1.0) * 0.5
    contrib = (q * (gk1 * (k + 1.0) - gk * k)
               + t_q * (gk - gk1)) / (bf - p_i + _EPS)
    focal = jnp.sum((1.0 - s_i) ** 2 * jnp.log(s_i))
    val = jnp.reshape(
        ((1.0 - _ALPHA) * _BETA * jnp.sum(contrib)
         + _ALPHA * _DELTA * focal) / bf, (1, 1))

    @pl.when(i == 0)
    def _init():
        hist = hist_ref[...]
        cp = hist.shape[1]
        mask = (lax.broadcasted_iota(jnp.int32, (1, cp), 1) < num_classes)
        gp = jnp.exp(_GAMMA * jnp.log(_EPS / (hist + _EPS)))
        tb = bf * (bf + 1.0) * 0.5
        ct = jnp.where(mask, gp * (tb - hist * bf) / (bf - hist + _EPS), 0.0)
        acc_ref[...] = val + jnp.reshape(
            jnp.sum(ct) * ((1.0 - _ALPHA) * _BETA / bf), (1, 1))

    @pl.when(i != 0)
    def _acc():
        acc_ref[...] = acc_ref[...] + val


@jax.jit
def kernel(logits, targets):
    b, c = logits.shape
    cp = 1024
    rb = 512
    blk = 1024
    fblk = 512
    sc_samples = 2048
    nworkers = 32
    per = sc_samples // nworkers
    ioff = sc_samples // blk
    nblk = b // blk
    logits_p = jnp.pad(logits, ((0, 0), (0, cp - c)),
                       constant_values=-1e30)
    t32 = targets.astype(jnp.int32)
    t_col = t32.reshape(b, 1)
    t_row = t32.reshape(1, b)

    s_hi, s_mid, scores_t, s_col, hist = pl.pallas_call(
        _stage1_kernel,
        grid=(b // rb,),
        in_specs=[
            pl.BlockSpec((rb, cp), lambda i: (i, 0)),
            pl.BlockSpec((rb, 1), lambda i: (i, 0)),
        ],
        out_specs=[
            pl.BlockSpec((rb, cp), lambda i: (i, 0)),
            pl.BlockSpec((rb, cp), lambda i: (i, 0)),
            pl.BlockSpec((cp, rb), lambda i: (0, i)),
            pl.BlockSpec((rb, 1), lambda i: (i, 0)),
            pl.BlockSpec((1, cp), lambda i: (0, 0)),
        ],
        out_shape=[
            jax.ShapeDtypeStruct((b, cp), jnp.bfloat16),
            jax.ShapeDtypeStruct((b, cp), jnp.bfloat16),
            jax.ShapeDtypeStruct((cp, b), jnp.float32),
            jax.ShapeDtypeStruct((b, 1), jnp.float32),
            jax.ShapeDtypeStruct((1, cp), jnp.float32),
        ],
    )(logits_p, t_col)

    s_flat = s_col.reshape(b)
    s_row = s_col.reshape(1, b)

    mesh = plsc.VectorSubcoreMesh(core_axis_name="c", subcore_axis_name="s")
    qpart = pl.kernel(
        functools.partial(_sc_count_kernel, batch=b, per=per, unroll=16),
        mesh=mesh,
        out_type=jax.ShapeDtypeStruct((sc_samples * 16,), jnp.float32),
        scratch_types=[
            pltpu.VMEM((per,), jnp.float32),
            pltpu.VMEM((per,), jnp.int32),
            pltpu.VMEM((8, b), jnp.float32),
            pltpu.VMEM((8, b), jnp.float32),
            pltpu.VMEM((per * 16,), jnp.float32),
            pltpu.VMEM((16,), jnp.float32),
            pltpu.SemaphoreType.DMA,
            pltpu.SemaphoreType.DMA,
        ],
    )(scores_t, s_flat, t32)
    qpart = jnp.pad(qpart.reshape(sc_samples, 16),
                    ((0, b - sc_samples), (0, 0)))

    q_tc = pl.pallas_call(
        functools.partial(_tc_count_kernel, blk=blk, nblk=nblk, ioff=ioff),
        grid=(nblk, (b - sc_samples) // blk),
        in_specs=[
            pl.BlockSpec((blk, cp), lambda j, i: (j, 0)),
            pl.BlockSpec((blk, cp), lambda j, i: (j, 0)),
            pl.BlockSpec((blk, 1), lambda j, i, io=ioff: (i + io, 0)),
            pl.BlockSpec((1, blk), lambda j, i, io=ioff: (0, i + io)),
        ],
        out_specs=pl.BlockSpec((blk, 1), lambda j, i, io=ioff: (i + io, 0)),
        out_shape=jax.ShapeDtypeStruct((b, 1), jnp.float32),
        scratch_shapes=[
            pltpu.VMEM((1, b - sc_samples), jnp.float32),
            pltpu.VMEM((b - sc_samples, cp), jnp.bfloat16),
        ],
    )(s_hi, s_mid, t_col, s_row)

    acc = pl.pallas_call(
        functools.partial(_final_kernel, blk=fblk, batch=b, num_classes=c,
                          nsc_blocks=sc_samples // fblk),
        grid=(b // fblk,),
        in_specs=[
            pl.BlockSpec((fblk, 16), lambda i: (i, 0)),
            pl.BlockSpec((fblk, 1), lambda i: (i, 0)),
            pl.BlockSpec((fblk, 1), lambda i: (i, 0)),
            pl.BlockSpec((fblk, 1), lambda i: (i, 0)),
            pl.BlockSpec((1, b), lambda i: (0, 0)),
            pl.BlockSpec((1, b), lambda i: (0, 0)),
            pl.BlockSpec((1, cp), lambda i: (0, 0)),
        ],
        out_specs=pl.BlockSpec((1, 1), lambda i: (0, 0)),
        out_shape=jax.ShapeDtypeStruct((1, 1), jnp.float32),
    )(qpart, q_tc, t_col, s_col, s_row, t_row, hist)

    return acc[0, 0]

# --- scband reference (transcript-rebuilt; emitter-appended) ---
"""Pipeline reference for scband-lr-dam-loss-15109694947809 (READ-ONLY COPY).

The authoritative reference and input builder live on the scoring server;
editing this copy changes nothing except your own understanding.
"""

import jax, jax.numpy as jnp
import numpy as np

ALPHA = 0.2
BETA = 0.2
GAMMA = 0.2
DELTA = 1.0


def setup_inputs(seed: int = 0) -> dict:
    key = jax.random.key(seed)
    k1, k2 = jax.random.split(key)
    logits = jax.random.normal(k1, (4096, 1000), dtype=jnp.float32)
    targets = jax.random.randint(k2, (4096,), 0, 1000)
    return {"logits": logits, "targets": targets}


def reference(logits, targets):
    batch_size, num_classes = logits.shape
    tgt = targets.reshape(-1)
    # scatter_(1, targets, 1) -> one-hot
    targets_one_hot = jnp.zeros((batch_size, num_classes), dtype=logits.dtype).at[jnp.arange(batch_size), tgt].set(1.0)
    targets_zero_hot = 1.0 - targets_one_hot
    ones = jnp.ones_like(targets_one_hot)
    scores = jax.nn.softmax(logits, axis=1)
    # torch.sort(scores, dim=0, descending=True): per-class descending sort over batch
    sorted_indices = jnp.argsort(-scores, axis=0)
    # gather targets_one_hot rows per column according to per-column sort order
    sorted_targets = jnp.take_along_axis(targets_one_hot, sorted_indices, axis=0)
    cumulative_tp = jnp.cumsum(sorted_targets, axis=0)
    cumulative_fp = jnp.cumsum(ones - sorted_targets, axis=0)
    cumulative_tpr = cumulative_tp / (targets_one_hot.sum(axis=0) + 1e-06)
    cumulative_fpr = cumulative_fp / (targets_zero_hot.sum(axis=0) + 1e-06)
    loss = (1.0 - ALPHA) * (BETA * jnp.power(ones - cumulative_tpr, GAMMA) * cumulative_fpr).sum(axis=1) \
         + ALPHA * (DELTA * targets_one_hot * jnp.power(ones - scores, 2) * jnp.log(scores)).sum(axis=1)
    return loss.mean()

if __name__ == "__main__":
    import jax
    _d = setup_inputs()
    print(jax.jit(kernel)(*tuple(_d.values())))

</pallas_src>

<mosaic_0001>
#map = affine_map<(d0, d1) -> (0, 0)>
#map1 = affine_map<(d0, d1) -> (0)>
module attributes {stable_mosaic.version = 14 : i64} {
  func.func @_sc_count_kernel(%arg0: i32, %arg1: i32, %arg2: memref<1024x4096xf32, #tpu.memory_space<hbm>>, %arg3: memref<4096xf32, #tpu.memory_space<hbm>>, %arg4: memref<4096xi32, #tpu.memory_space<hbm>>, %arg5: memref<32768xf32, #tpu.memory_space<hbm>>, %arg6: memref<64xf32, #tpu.memory_space<vmem>>, %arg7: memref<64xi32, #tpu.memory_space<vmem>>, %arg8: memref<8x4096xf32, #tpu.memory_space<vmem>>, %arg9: memref<8x4096xf32, #tpu.memory_space<vmem>>, %arg10: memref<1024xf32, #tpu.memory_space<vmem>>, %arg11: memref<16xf32, #tpu.memory_space<vmem>>, %arg12: memref<!tpu.dma_semaphore, #tpu.memory_space<semaphore_mem>>, %arg13: memref<!tpu.dma_semaphore, #tpu.memory_space<semaphore_mem>>) attributes {dimension_semantics = [#tpu.dimension_semantics<core_parallel>, #tpu.dimension_semantics<subcore_parallel>], iteration_bounds = array<i64: 2, 16>, scalar_prefetch = 0 : i64, scratch_operands = 8 : i64, tpu.core_type = #tpu.core_type<sc_vector_subcore>, window_params = [{transform_indices = #map}, {transform_indices = #map1}, {transform_indices = #map1}, {transform_indices = #map1}]} {
    %mul3A = arith.constant 2 : i32
    %mul3A_0 = arith.muli %arg1, %mul3A : i32
    %add3A = arith.addi %mul3A_0, %arg0 : i32
    %mul3A_1 = arith.constant 64 : i32
    %mul3A_2 = arith.muli %add3A, %mul3A_1 : i32
    "tpu.region"() ({
      %run_scoped3A = tpu.sem_alloc : memref<!tpu.dma_semaphore, #tpu.memory_space<semaphore_mem>>
      %dma_start3A_20 = tpu.memref_slice %arg3[%mul3A_2] : memref<4096xf32, #tpu.memory_space<hbm>> -> memref<64xf32, #tpu.memory_space<hbm>>
      %dma_start3A_21 = tpu.memref_slice %arg3[%mul3A_2] : memref<4096xf32, #tpu.memory_space<hbm>> -> memref<64xf32, #tpu.memory_space<hbm>>
      tpu.enqueue_dma source(%dma_start3A_21 : memref<64xf32, #tpu.memory_space<hbm>>) target(%arg6 : memref<64xf32, #tpu.memory_space<vmem>>) target_semaphore(%run_scoped3A : memref<!tpu.dma_semaphore, #tpu.memory_space<semaphore_mem>>)
      %dma_wait3A = tpu.memref_slice %arg3[%mul3A_2] : memref<4096xf32, #tpu.memory_space<hbm>> -> memref<64xf32, #tpu.memory_space<hbm>>
      %dma_wait3A_22 = tpu.memref_slice %arg3[%mul3A_2] : memref<4096xf32, #tpu.memory_space<hbm>> -> memref<64xf32, #tpu.memory_space<hbm>>
      tpu.wait_dma2 semaphore(%run_scoped3A : memref<!tpu.dma_semaphore, #tpu.memory_space<semaphore_mem>>) src(%dma_wait3A_22 : memref<64xf32, #tpu.memory_space<hbm>>) dst(%arg6 : memref<64xf32, #tpu.memory_space<vmem>>)
      tpu.yield
    }) : () -> ()
    "tpu.region"() ({
      %run_scoped3A = tpu.sem_alloc : memref<!tpu.dma_semaphore, #tpu.memory_space<semaphore_mem>>
      %dma_start3A_20 = tpu.memref_slice %arg4[%mul3A_2] : memref<4096xi32, #tpu.memory_space<hbm>> -> memref<64xi32, #tpu.memory_space<hbm>>
      %dma_start3A_21 = tpu.memref_slice %arg4[%mul3A_2] : memref<4096xi32, #tpu.memory_space<hbm>> -> memref<64xi32, #tpu.memory_space<hbm>>
      tpu.enqueue_dma source(%dma_start3A_21 : memref<64xi32, #tpu.memory_space<hbm>>) target(%arg7 : memref<64xi32, #tpu.memory_space<vmem>>) target_semaphore(%run_scoped3A : memref<!tpu.dma_semaphore, #tpu.memory_space<semaphore_mem>>)
      %dma_wait3A = tpu.memref_slice %arg4[%mul3A_2] : memref<4096xi32, #tpu.memory_space<hbm>> -> memref<64xi32, #tpu.memory_space<hbm>>
      %dma_wait3A_22 = tpu.memref_slice %arg4[%mul3A_2] : memref<4096xi32, #tpu.memory_space<hbm>> -> memref<64xi32, #tpu.memory_space<hbm>>
      tpu.wait_dma2 semaphore(%run_scoped3A : memref<!tpu.dma_semaphore, #tpu.memory_space<semaphore_mem>>) src(%dma_wait3A_22 : memref<64xi32, #tpu.memory_space<hbm>>) dst(%arg7 : memref<64xi32, #tpu.memory_space<vmem>>)
      tpu.yield
    }) : () -> ()
    %iota3A = tpu.iota {dimensions = array<i32: 0>} : vector<16xi32>
    %broadcast_in_dim3A = arith.constant 0 : i32
    %broadcast_in_dim3A_3 = vector.broadcast %broadcast_in_dim3A : i32 to vector<16xi32>
    %broadcast_in_dim3A_4 = arith.constant 1.000000e+00 : f32
    %broadcast_in_dim3A_5 = vector.broadcast %broadcast_in_dim3A_4 : f32 to vector<16xf32>
    %broadcast_in_dim3A_6 = arith.constant 0.000000e+00 : f32
    %broadcast_in_dim3A_7 = vector.broadcast %broadcast_in_dim3A_6 : f32 to vector<16xf32>
    %dma_start3A = arith.constant 0 : i32
    %dma_start3A_8 = tpu.memref_slice %arg7[%dma_start3A] : memref<64xi32, #tpu.memory_space<vmem>> -> memref<8xi32, #tpu.memory_space<vmem>>
    %dma_start3A_9 = arith.constant 0 : i32
    %dma_start3A_10 = arith.constant 0 : i32
    %dma_start3A_11 = tpu.memref_slice %arg2[%dma_start3A_9, %dma_start3A_10] : memref<1024x4096xf32, #tpu.memory_space<hbm>> -> memref<1024x4096xf32, #tpu.memory_space<hbm>>
    tpu.enqueue_indirect_dma source(%dma_start3A_11 : memref<1024x4096xf32, #tpu.memory_space<hbm>>) target(%arg8 : memref<8x4096xf32, #tpu.memory_space<vmem>>) offsets(%dma_start3A_8 : memref<8xi32, #tpu.memory_space<vmem>>) semaphore(%arg12 : memref<!tpu.dma_semaphore, #tpu.memory_space<semaphore_mem>>)
    %scan3A = arith.constant 0 : i32
    %scan3A_12 = arith.constant 0 : i32
    %scan3A_13 = arith.constant 4 : i32
    %scan3A_14 = arith.addi %scan3A_12, %scan3A_13 : i32
    %scan3A_15 = arith.constant 1 : i32
    %scan3A_16 = scf.for %scan3A_20 = %scan3A_12 to %scan3A_14 step %scan3A_15 iter_args(%scan3A_21 = %scan3A) -> (i32)  : i32 {
      %dma_wait3A = arith.constant 0 : i32
      %dma_wait3A_22 = tpu.memref_slice %arg7[%dma_wait3A] : memref<64xi32, #tpu.memory_space<vmem>> -> memref<8xi32, #tpu.memory_space<vmem>>
      %dma_wait3A_23 = arith.constant 0 : i32
      %dma_wait3A_24 = arith.constant 0 : i32
      %dma_wait3A_25 = tpu.memref_slice %arg2[%dma_wait3A_23, %dma_wait3A_24] : memref<1024x4096xf32, #tpu.memory_space<hbm>> -> memref<1024x4096xf32, #tpu.memory_space<hbm>>
      tpu.wait_indirect_dma semaphore(%arg12 : memref<!tpu.dma_semaphore, #tpu.memory_space<semaphore_mem>>) src(%dma_wait3A_25 : memref<1024x4096xf32, #tpu.memory_space<hbm>>) dst(%arg8 : memref<8x4096xf32, #tpu.memory_space<vmem>>)
      %mul3A_26 = arith.constant 2 : i32
      %mul3A_27 = arith.muli %mul3A_26, %scan3A_20 : i32
      %add3A_28 = arith.constant 1 : i32
      %add3A_29 = arith.addi %mul3A_27, %add3A_28 : i32
      %mul3A_30 = arith.constant 8 : i32
      %mul3A_31 = arith.muli %add3A_29, %mul3A_30 : i32
      %dma_start3A_32 = tpu.memref_slice %arg7[%mul3A_31] : memref<64xi32, #tpu.memory_space<vmem>> -> memref<8xi32, #tpu.memory_space<vmem>>
      %dma_start3A_33 = arith.constant 0 : i32
      %dma_start3A_34 = arith.constant 0 : i32
      %dma_start3A_35 = tpu.memref_slice %arg2[%dma_start3A_33, %dma_start3A_34] : memref<1024x4096xf32, #tpu.memory_space<hbm>> -> memref<1024x4096xf32, #tpu.memory_space<hbm>>
      tpu.enqueue_indirect_dma source(%dma_start3A_35 : memref<1024x4096xf32, #tpu.memory_space<hbm>>) target(%arg9 : memref<8x4096xf32, #tpu.memory_space<vmem>>) offsets(%dma_start3A_32 : memref<8xi32, #tpu.memory_space<vmem>>) semaphore(%arg13 : memref<!tpu.dma_semaphore, #tpu.memory_space<semaphore_mem>>)
      %mul3A_36 = arith.constant 2 : i32
      %mul3A_37 = arith.muli %mul3A_36, %scan3A_20 : i32
      %jit3A = arith.constant 2 : i32
      %div3A = arith.divsi %mul3A_37, %jit3A : i32
      %sign3A = arith.constant 0 : i32
      %sign3A_38 = arith.cmpi sgt, %mul3A_37, %sign3A : i32
      %sign3A_39 = arith.extui %sign3A_38 : i1 to i32
      %sign3A_40 = arith.constant 0 : i32
      %sign3A_41 = arith.cmpi slt, %mul3A_37, %sign3A_40 : i32
      %sign3A_42 = arith.extui %sign3A_41 : i1 to i32
      %sign3A_43 = arith.subi %sign3A_39, %sign3A_42 : i32
      %sign3A_44 = arith.constant 0 : i32
      %sign3A_45 = arith.cmpi sgt, %jit3A, %sign3A_44 : i32
      %sign3A_46 = arith.extui %sign3A_45 : i1 to i32
      %sign3A_47 = arith.constant 0 : i32
      %sign3A_48 = arith.cmpi slt, %jit3A, %sign3A_47 : i32
      %sign3A_49 = arith.extui %sign3A_48 : i1 to i32
      %sign3A_50 = arith.subi %sign3A_46, %sign3A_49 : i32
      %ne3A = arith.cmpi ne, %sign3A_43, %sign3A_50 : i32
      %rem3A = arith.remsi %mul3A_37, %jit3A : i32
      %ne3A_51 = arith.constant 0 : i32
      %ne3A_52 = arith.cmpi ne, %rem3A, %ne3A_51 : i32
      %and3A = arith.andi %ne3A, %ne3A_52 : i1
      %sub3A = arith.constant 1 : i32
      %sub3A_53 = arith.subi %div3A, %sub3A : i32
      %select_n3A = arith.select %and3A, %sub3A_53, %div3A : i32
      %mul3A_54 = arith.constant 16 : i32
      %mul3A_55 = arith.muli %select_n3A, %mul3A_54 : i32
      %get3A = arith.index_cast %mul3A_55 : i32 to index
      %get3A_56 = tpu.vector_load %arg6[%get3A] {strides = array<i32>} : memref<64xf32, #tpu.memory_space<vmem>>, vector<16xf32>,
      %get3A_57 = vector.shape_cast %get3A_56 : vector<16xf32> to vector<16xf32>
      %jit3A_58 = arith.constant 2 : i32
      %eq3A = arith.constant 0 : i32
      %eq3A_59 = arith.cmpi eq, %jit3A_58, %eq3A : i32
      %jit3A_60 = arith.constant 1 : i32
      %select_n3A_61 = arith.select %eq3A_59, %jit3A_60, %jit3A_58 : i32
      %rem3A_62 = arith.remsi %mul3A_37, %select_n3A_61 : i32
      %ne3A_63 = arith.constant 0 : i32
      %ne3A_64 = arith.cmpi ne, %rem3A_62, %ne3A_63 : i32
      %lt3A = arith.constant 0 : i32
      %lt3A_65 = arith.cmpi slt, %rem3A_62, %lt3A : i32
      %lt3A_66 = arith.constant 0 : i32
      %lt3A_67 = arith.cmpi slt, %select_n3A_61, %lt3A_66 : i32
      %ne3A_68 = arith.xori %lt3A_65, %lt3A_67 : i1
      %and3A_69 = arith.andi %ne3A_68, %ne3A_64 : i1
      %add3A_70 = arith.addi %rem3A_62, %select_n3A_61 : i32
      %select_n3A_71 = arith.select %and3A_69, %add3A_70, %rem3A_62 : i32
      %mul3A_72 = arith.constant 8 : i32
      %mul3A_73 = arith.muli %select_n3A_71, %mul3A_72 : i32
      %scan3A_74 = arith.constant 0 : i32
      %scan3A_75 = arith.constant 0 : i32
      %scan3A_76 = arith.constant 8 : i32
      %scan3A_77 = arith.addi %scan3A_75, %scan3A_76 : i32
      %scan3A_78 = arith.constant 1 : i32
      %scan3A_79 = scf.for %scan3A_148 = %scan3A_75 to %scan3A_77 step %scan3A_78 iter_args(%scan3A_149 = %scan3A_74) -> (i32)  : i32 {
        %mul3A_150 = arith.constant 8 : i32
        %mul3A_151 = arith.muli %mul3A_37, %mul3A_150 : i32
        %add3A_152 = arith.addi %mul3A_151, %scan3A_148 : i32
        %add3A_153 = arith.addi %mul3A_73, %scan3A_148 : i32
        %add3A_154 = vector.broadcast %add3A_153 : i32 to vector<16xi32>
        %add3A_155 = arith.addi %broadcast_in_dim3A_3, %add3A_154 : vector<16xi32>
        %reshape3A = vector.shape_cast %add3A_155 : vector<16xi32> to vector<16x1xi32>
        %gather3A = vector.shape_cast %reshape3A : vector<16x1xi32> to vector<16xi32>
        %gather3A_156 = tpu.dynamic_gather %get3A_57[%gather3A] in [0] : vector<16xf32>, vector<16xi32> -> vector<16xf32>
        %add3A_157 = arith.addi %mul3A_2, %add3A_152 : i32
        %swap3A = arith.constant 0 : index
        %swap3A_158 = tpu.vector_load %arg11[%swap3A] {strides = array<i32>} : memref<16xf32, #tpu.memory_space<vmem>>, vector<16xf32>,
        %swap3A_159 = vector.shape_cast %swap3A_158 : vector<16xf32> to vector<16xf32>
        %swap3A_160 = vector.shape_cast %broadcast_in_dim3A_7 : vector<16xf32> to vector<16xf32>
        tpu.vector_store %arg11[%swap3A], %swap3A_160 {strides = array<i32>} : memref<16xf32, #tpu.memory_space<vmem>>, vector<16xf32>,
        %scan3A_161 = arith.constant 0 : i32
        %scan3A_162 = arith.constant 0 : i32
        %scan3A_163 = arith.constant 16 : i32
        %scan3A_164 = arith.addi %scan3A_162, %scan3A_163 : i32
        %scan3A_165 = arith.constant 1 : i32
        %scan3A_166 = scf.for %scan3A_178 = %scan3A_162 to %scan3A_164 step %scan3A_165 iter_args(%scan3A_179 = %scan3A_161) -> (i32)  : i32 {
          %mul3A_180 = arith.constant 16 : i32
          %mul3A_181 = arith.muli %scan3A_178, %mul3A_180 : i32
          %add3A_182 = arith.constant 0 : i32
          %add3A_183 = arith.addi %mul3A_181, %add3A_182 : i32
          %mul3A_184 = arith.constant 16 : i32
          %mul3A_185 = arith.muli %add3A_183, %mul3A_184 : i32
          %get3A_186 = arith.index_cast %scan3A_148 : i32 to index
          %get3A_187 = arith.index_cast %mul3A_185 : i32 to index
          %get3A_188 = tpu.vector_load %arg8[%get3A_186, %get3A_187] {strides = array<i32>} : memref<8x4096xf32, #tpu.memory_space<vmem>>, vector<1x16xf32>,
          %get3A_189 = vector.shape_cast %get3A_188 : vector<1x16xf32> to vector<16xf32>
          %mul3A_190 = arith.constant 16 : i32
          %mul3A_191 = arith.muli %add3A_183, %mul3A_190 : i32
          %add3A_192 = vector.broadcast %mul3A_191 : i32 to vector<16xi32>
          %add3A_193 = arith.addi %iota3A, %add3A_192 : vector<16xi32>
          %gt3A = arith.cmpf ogt, %get3A_189, %gather3A_156 : vector<16xf32>
          %eq3A_194 = arith.cmpf oeq, %get3A_189, %gather3A_156 : vector<16xf32>
          %lt3A_195 = vector.broadcast %add3A_157 : i32 to vector<16xi32>
          %lt3A_196 = arith.cmpi slt, %add3A_193, %lt3A_195 : vector<16xi32>
          %and3A_197 = arith.andi %eq3A_194, %lt3A_196 : vector<16xi1>
          %or3A = arith.ori %gt3A, %and3A_197 : vector<16xi1>
          %select_n3A_198 = arith.select %or3A, %broadcast_in_dim3A_5, %broadcast_in_dim3A_7 : vector<16xi1>, vector<16xf32>
          %add3A_199 = arith.addf %broadcast_in_dim3A_7, %select_n3A_198 : vector<16xf32>
          %mul3A_200 = arith.constant 16 : i32
          %mul3A_201 = arith.muli %scan3A_178, %mul3A_200 : i32
          %add3A_202 = arith.constant 1 : i32
          %add3A_203 = arith.addi %mul3A_201, %add3A_202 : i32
          %mul3A_204 = arith.constant 16 : i32
          %mul3A_205 = arith.muli %add3A_203, %mul3A_204 : i32
          %get3A_206 = arith.index_cast %scan3A_148 : i32 to index
          %get3A_207 = arith.index_cast %mul3A_205 : i32 to index
          %get3A_208 = tpu.vector_load %arg8[%get3A_206, %get3A_207] {strides = array<i32>} : memref<8x4096xf32, #tpu.memory_space<vmem>>, vector<1x16xf32>,
          %get3A_209 = vector.shape_cast %get3A_208 : vector<1x16xf32> to vector<16xf32>
          %mul3A_210 = arith.constant 16 : i32
          %mul3A_211 = arith.muli %add3A_203, %mul3A_210 : i32
          %add3A_212 = vector.broadcast %mul3A_211 : i32 to vector<16xi32>
          %add3A_213 = arith.addi %iota3A, %add3A_212 : vector<16xi32>
          %gt3A_214 = arith.cmpf ogt, %get3A_209, %gather3A_156 : vector<16xf32>
          %eq3A_215 = arith.cmpf oeq, %get3A_209, %gather3A_156 : vector<16xf32>
          %lt3A_216 = vector.broadcast %add3A_157 : i32 to vector<16xi32>
          %lt3A_217 = arith.cmpi slt, %add3A_213, %lt3A_216 : vector<16xi32>
          %and3A_218 = arith.andi %eq3A_215, %lt3A_217 : vector<16xi1>
          %or3A_219 = arith.ori %gt3A_214, %and3A_218 : vector<16xi1>
          %select_n3A_220 = arith.select %or3A_219, %broadcast_in_dim3A_5, %broadcast_in_dim3A_7 : vector<16xi1>, vector<16xf32>
          %add3A_221 = arith.addf %add3A_199, %select_n3A_220 : vector<16xf32>
          %mul3A_222 = arith.constant 16 : i32
          %mul3A_223 = arith.muli %scan3A_178, %mul3A_222 : i32
          %add3A_224 = arith.constant 2 : i32
          %add3A_225 = arith.addi %mul3A_223, %add3A_224 : i32
          %mul3A_226 = arith.constant 16 : i32
          %mul3A_227 = arith.muli %add3A_225, %mul3A_226 : i32
          %get3A_228 = arith.index_cast %scan3A_148 : i32 to index
          %get3A_229 = arith.index_cast %mul3A_227 : i32 to index
          %get3A_230 = tpu.vector_load %arg8[%get3A_228, %get3A_229] {strides = array<i32>} : memref<8x4096xf32, #tpu.memory_space<vmem>>, vector<1x16xf32>,
          %get3A_231 = vector.shape_cast %get3A_230 : vector<1x16xf32> to vector<16xf32>
          %mul3A_232 = arith.constant 16 : i32
          %mul3A_233 = arith.muli %add3A_225, %mul3A_232 : i32
          %add3A_234 = vector.broadcast %mul3A_233 : i32 to vector<16xi32>
          %add3A_235 = arith.addi %iota3A, %add3A_234 : vector<16xi32>
          %gt3A_236 = arith.cmpf ogt, %get3A_231, %gather3A_156 : vector<16xf32>
          %eq3A_237 = arith.cmpf oeq, %get3A_231, %gather3A_156 : vector<16xf32>
          %lt3A_238 = vector.broadcast %add3A_157 : i32 to vector<16xi32>
          %lt3A_239 = arith.cmpi slt, %add3A_235, %lt3A_238 : vector<16xi32>
          %and3A_240 = arith.andi %eq3A_237, %lt3A_239 : vector<16xi1>
          %or3A_241 = arith.ori %gt3A_236, %and3A_240 : vector<16xi1>
          %select_n3A_242 = arith.select %or3A_241, %broadcast_in_dim3A_5, %broadcast_in_dim3A_7 : vector<16xi1>, vector<16xf32>
          %add3A_243 = arith.addf %add3A_221, %select_n3A_242 : vector<16xf32>
          %mul3A_244 = arith.constant 16 : i32
          %mul3A_245 = arith.muli %scan3A_178, %mul3A_244 : i32
          %add3A_246 = arith.constant 3 : i32
          %add3A_247 = arith.addi %mul3A_245, %add3A_246 : i32
          %mul3A_248 = arith.constant 16 : i32
          %mul3A_249 = arith.muli %add3A_247, %mul3A_248 : i32
          %get3A_250 = arith.index_cast %scan3A_148 : i32 to index
          %get3A_251 = arith.index_cast %mul3A_249 : i32 to index
          %get3A_252 = tpu.vector_load %arg8[%get3A_250, %get3A_251] {strides = array<i32>} : memref<8x4096xf32, #tpu.memory_space<vmem>>, vector<1x16xf32>,
          %get3A_253 = vector.shape_cast %get3A_252 : vector<1x16xf32> to vector<16xf32>
          %mul3A_254 = arith.constant 16 : i32
          %mul3A_255 = arith.muli %add3A_247, %mul3A_254 : i32
          %add3A_256 = vector.broadcast %mul3A_255 : i32 to vector<16xi32>
          %add3A_257 = arith.addi %iota3A, %add3A_256 : vector<16xi32>
          %gt3A_258 = arith.cmpf ogt, %get3A_253, %gather3A_156 : vector<16xf32>
          %eq3A_259 = arith.cmpf oeq, %get3A_253, %gather3A_156 : vector<16xf32>
          %lt3A_260 = vector.broadcast %add3A_157 : i32 to vector<16xi32>
          %lt3A_261 = arith.cmpi slt, %add3A_257, %lt3A_260 : vector<16xi32>
          %and3A_262 = arith.andi %eq3A_259, %lt3A_261 : vector<16xi1>
          %or3A_263 = arith.ori %gt3A_258, %and3A_262 : vector<16xi1>
          %select_n3A_264 = arith.select %or3A_263, %broadcast_in_dim3A_5, %broadcast_in_dim3A_7 : vector<16xi1>, vector<16xf32>
          %add3A_265 = arith.addf %add3A_243, %select_n3A_264 : vector<16xf32>
          %mul3A_266 = arith.constant 16 : i32
          %mul3A_267 = arith.muli %scan3A_178, %mul3A_266 : i32
          %add3A_268 = arith.constant 4 : i32
          %add3A_269 = arith.addi %mul3A_267, %add3A_268 : i32
          %mul3A_270 = arith.constant 16 : i32
          %mul3A_271 = arith.muli %add3A_269, %mul3A_270 : i32
          %get3A_272 = arith.index_cast %scan3A_148 : i32 to index
          %get3A_273 = arith.index_cast %mul3A_271 : i32 to index
          %get3A_274 = tpu.vector_load %arg8[%get3A_272, %get3A_273] {strides = array<i32>} : memref<8x4096xf32, #tpu.memory_space<vmem>>, vector<1x16xf32>,
          %get3A_275 = vector.shape_cast %get3A_274 : vector<1x16xf32> to vector<16xf32>
          %mul3A_276 = arith.constant 16 : i32
          %mul3A_277 = arith.muli %add3A_269, %mul3A_276 : i32
          %add3A_278 = vector.broadcast %mul3A_277 : i32 to vector<16xi32>
          %add3A_279 = arith.addi %iota3A, %add3A_278 : vector<16xi32>
          %gt3A_280 = arith.cmpf ogt, %get3A_275, %gather3A_156 : vector<16xf32>
          %eq3A_281 = arith.cmpf oeq, %get3A_275, %gather3A_156 : vector<16xf32>
          %lt3A_282 = vector.broadcast %add3A_157 : i32 to vector<16xi32>
          %lt3A_283 = arith.cmpi slt, %add3A_279, %lt3A_282 : vector<16xi32>
          %and3A_284 = arith.andi %eq3A_281, %lt3A_283 : vector<16xi1>
          %or3A_285 = arith.ori %gt3A_280, %and3A_284 : vector<16xi1>
          %select_n3A_286 = arith.select %or3A_285, %broadcast_in_dim3A_5, %broadcast_in_dim3A_7 : vector<16xi1>, vector<16xf32>
          %add3A_287 = arith.addf %add3A_265, %select_n3A_286 : vector<16xf32>
          %mul3A_288 = arith.constant 16 : i32
          %mul3A_289 = arith.muli %scan3A_178, %mul3A_288 : i32
          %add3A_290 = arith.constant 5 : i32
          %add3A_291 = arith.addi %mul3A_289, %add3A_290 : i32
          %mul3A_292 = arith.constant 16 : i32
          %mul3A_293 = arith.muli %add3A_291, %mul3A_292 : i32
          %get3A_294 = arith.index_cast %scan3A_148 : i32 to index
          %get3A_295 = arith.index_cast %mul3A_293 : i32 to index
          %get3A_296 = tpu.vector_load %arg8[%get3A_294, %get3A_295] {strides = array<i32>} : memref<8x4096xf32, #tpu.memory_space<vmem>>, vector<1x16xf32>,
          %get3A_297 = vector.shape_cast %get3A_296 : vector<1x16xf32> to vector<16xf32>
          %mul3A_298 = arith.constant 16 : i32
          %mul3A_299 = arith.muli %add3A_291, %mul3A_298 : i32
          %add3A_300 = vector.broadcast %mul3A_299 : i32 to vector<16xi32>
          %add3A_301 = arith.addi %iota3A, %add3A_300 : vector<16xi32>
          %gt3A_302 = arith.cmpf ogt, %get3A_297, %gather3A_156 : vector<16xf32>
          %eq3A_303 = arith.cmpf oeq, %get3A_297, %gather3A_156 : vector<16xf32>
          %lt3A_304 = vector.broadcast %add3A_157 : i32 to vector<16xi32>
          %lt3A_305 = arith.cmpi slt, %add3A_301, %lt3A_304 : vector<16xi32>
          %and3A_306 = arith.andi %eq3A_303, %lt3A_305 : vector<16xi1>
          %or3A_307 = arith.ori %gt3A_302, %and3A_306 : vector<16xi1>
          %select_n3A_308 = arith.select %or3A_307, %broadcast_in_dim3A_5, %broadcast_in_dim3A_7 : vector<16xi1>, vector<16xf32>
          %add3A_309 = arith.addf %add3A_287, %select_n3A_308 : vector<16xf32>
          %mul3A_310 = arith.constant 16 : i32
          %mul3A_311 = arith.muli %scan3A_178, %mul3A_310 : i32
          %add3A_312 = arith.constant 6 : i32
          %add3A_313 = arith.addi %mul3A_311, %add3A_312 : i32
          %mul3A_314 = arith.constant 16 : i32
          %mul3A_315 = arith.muli %add3A_313, %mul3A_314 : i32
          %get3A_316 = arith.index_cast %scan3A_148 : i32 to index
          %get3A_317 = arith.index_cast %mul3A_315 : i32 to index
          %get3A_318 = tpu.vector_load %arg8[%get3A_316, %get3A_317] {strides = array<i32>} : memref<8x4096xf32, #tpu.memory_space<vmem>>, vector<1x16xf32>,
          %get3A_319 = vector.shape_cast %get3A_318 : vector<1x16xf32> to vector<16xf32>
          %mul3A_320 = arith.constant 16 : i32
          %mul3A_321 = arith.muli %add3A_313, %mul3A_320 : i32
          %add3A_322 = vector.broadcast %mul3A_321 : i32 to vector<16xi32>
          %add3A_323 = arith.addi %iota3A, %add3A_322 : vector<16xi32>
          %gt3A_324 = arith.cmpf ogt, %get3A_319, %gather3A_156 : vector<16xf32>
          %eq3A_325 = arith.cmpf oeq, %get3A_319, %gather3A_156 : vector<16xf32>
          %lt3A_326 = vector.broadcast %add3A_157 : i32 to vector<16xi32>
          %lt3A_327 = arith.cmpi slt, %add3A_323, %lt3A_326 : vector<16xi32>
          %and3A_328 = arith.andi %eq3A_325, %lt3A_327 : vector<16xi1>
          %or3A_329 = arith.ori %gt3A_324, %and3A_328 : vector<16xi1>
          %select_n3A_330 = arith.select %or3A_329, %broadcast_in_dim3A_5, %broadcast_in_dim3A_7 : vector<16xi1>, vector<16xf32>
          %add3A_331 = arith.addf %add3A_309, %select_n3A_330 : vector<16xf32>
          %mul3A_332 = arith.constant 16 : i32
          %mul3A_333 = arith.muli %scan3A_178, %mul3A_332 : i32
          %add3A_334 = arith.constant 7 : i32
          %add3A_335 = arith.addi %mul3A_333, %add3A_334 : i32
          %mul3A_336 = arith.constant 16 : i32
          %mul3A_337 = arith.muli %add3A_335, %mul3A_336 : i32
          %get3A_338 = arith.index_cast %scan3A_148 : i32 to index
          %get3A_339 = arith.index_cast %mul3A_337 : i32 to index
          %get3A_340 = tpu.vector_load %arg8[%get3A_338, %get3A_339] {strides = array<i32>} : memref<8x4096xf32, #tpu.memory_space<vmem>>, vector<1x16xf32>,
          %get3A_341 = vector.shape_cast %get3A_340 : vector<1x16xf32> to vector<16xf32>
          %mul3A_342 = arith.constant 16 : i32
          %mul3A_343 = arith.muli %add3A_335, %mul3A_342 : i32
          %add3A_344 = vector.broadcast %mul3A_343 : i32 to vector<16xi32>
          %add3A_345 = arith.addi %iota3A, %add3A_344 : vector<16xi32>
          %gt3A_346 = arith.cmpf ogt, %get3A_341, %gather3A_156 : vector<16xf32>
          %eq3A_347 = arith.cmpf oeq, %get3A_341, %gather3A_156 : vector<16xf32>
          %lt3A_348 = vector.broadcast %add3A_157 : i32 to vector<16xi32>
          %lt3A_349 = arith.cmpi slt, %add3A_345, %lt3A_348 : vector<16xi32>
          %and3A_350 = arith.andi %eq3A_347, %lt3A_349 : vector<16xi1>
          %or3A_351 = arith.ori %gt3A_346, %and3A_350 : vector<16xi1>
          %select_n3A_352 = arith.select %or3A_351, %broadcast_in_dim3A_5, %broadcast_in_dim3A_7 : vector<16xi1>, vector<16xf32>
          %add3A_353 = arith.addf %add3A_331, %select_n3A_352 : vector<16xf32>
          %mul3A_354 = arith.constant 16 : i32
          %mul3A_355 = arith.muli %scan3A_178, %mul3A_354 : i32
          %add3A_356 = arith.constant 8 : i32
          %add3A_357 = arith.addi %mul3A_355, %add3A_356 : i32
          %mul3A_358 = arith.constant 16 : i32
          %mul3A_359 = arith.muli %add3A_357, %mul3A_358 : i32
          %get3A_360 = arith.index_cast %scan3A_148 : i32 to index
          %get3A_361 = arith.index_cast %mul3A_359 : i32 to index
          %get3A_362 = tpu.vector_load %arg8[%get3A_360, %get3A_361] {strides = array<i32>} : memref<8x4096xf32, #tpu.memory_space<vmem>>, vector<1x16xf32>,
          %get3A_363 = vector.shape_cast %get3A_362 : vector<1x16xf32> to vector<16xf32>
          %mul3A_364 = arith.constant 16 : i32
          %mul3A_365 = arith.muli %add3A_357, %mul3A_364 : i32
          %add3A_366 = vector.broadcast %mul3A_365 : i32 to vector<16xi32>
          %add3A_367 = arith.addi %iota3A, %add3A_366 : vector<16xi32>
          %gt3A_368 = arith.cmpf ogt, %get3A_363, %gather3A_156 : vector<16xf32>
          %eq3A_369 = arith.cmpf oeq, %get3A_363, %gather3A_156 : vector<16xf32>
          %lt3A_370 = vector.broadcast %add3A_157 : i32 to vector<16xi32>
          %lt3A_371 = arith.cmpi slt, %add3A_367, %lt3A_370 : vector<16xi32>
          %and3A_372 = arith.andi %eq3A_369, %lt3A_371 : vector<16xi1>
          %or3A_373 = arith.ori %gt3A_368, %and3A_372 : vector<16xi1>
          %select_n3A_374 = arith.select %or3A_373, %broadcast_in_dim3A_5, %broadcast_in_dim3A_7 : vector<16xi1>, vector<16xf32>
          %add3A_375 = arith.addf %add3A_353, %select_n3A_374 : vector<16xf32>
          %mul3A_376 = arith.constant 16 : i32
          %mul3A_377 = arith.muli %scan3A_178, %mul3A_376 : i32
          %add3A_378 = arith.constant 9 : i32
          %add3A_379 = arith.addi %mul3A_377, %add3A_378 : i32
          %mul3A_380 = arith.constant 16 : i32
          %mul3A_381 = arith.muli %add3A_379, %mul3A_380 : i32
          %get3A_382 = arith.index_cast %scan3A_148 : i32 to index
          %get3A_383 = arith.index_cast %mul3A_381 : i32 to index
          %get3A_384 = tpu.vector_load %arg8[%get3A_382, %get3A_383] {strides = array<i32>} : memref<8x4096xf32, #tpu.memory_space<vmem>>, vector<1x16xf32>,
          %get3A_385 = vector.shape_cast %get3A_384 : vector<1x16xf32> to vector<16xf32>
          %mul3A_386 = arith.constant 16 : i32
          %mul3A_387 = arith.muli %add3A_379, %mul3A_386 : i32
          %add3A_388 = vector.broadcast %mul3A_387 : i32 to vector<16xi32>
          %add3A_389 = arith.addi %iota3A, %add3A_388 : vector<16xi32>
          %gt3A_390 = arith.cmpf ogt, %get3A_385, %gather3A_156 : vector<16xf32>
          %eq3A_391 = arith.cmpf oeq, %get3A_385, %gather3A_156 : vector<16xf32>
          %lt3A_392 = vector.broadcast %add3A_157 : i32 to vector<16xi32>
          %lt3A_393 = arith.cmpi slt, %add3A_389, %lt3A_392 : vector<16xi32>
          %and3A_394 = arith.andi %eq3A_391, %lt3A_393 : vector<16xi1>
          %or3A_395 = arith.ori %gt3A_390, %and3A_394 : vector<16xi1>
          %select_n3A_396 = arith.select %or3A_395, %broadcast_in_dim3A_5, %broadcast_in_dim3A_7 : vector<16xi1>, vector<16xf32>
          %add3A_397 = arith.addf %add3A_375, %select_n3A_396 : vector<16xf32>
          %mul3A_398 = arith.constant 16 : i32
          %mul3A_399 = arith.muli %scan3A_178, %mul3A_398 : i32
          %add3A_400 = arith.constant 10 : i32
          %add3A_401 = arith.addi %mul3A_399, %add3A_400 : i32
          %mul3A_402 = arith.constant 16 : i32
          %mul3A_403 = arith.muli %add3A_401, %mul3A_402 : i32
          %get3A_404 = arith.index_cast %scan3A_148 : i32 to index
          %get3A_405 = arith.index_cast %mul3A_403 : i32 to index
          %get3A_406 = tpu.vector_load %arg8[%get3A_404, %get3A_405] {strides = array<i32>} : memref<8x4096xf32, #tpu.memory_space<vmem>>, vector<1x16xf32>,
          %get3A_407 = vector.shape_cast %get3A_406 : vector<1x16xf32> to vector<16xf32>
          %mul3A_408 = arith.constant 16 : i32
          %mul3A_409 = arith.muli %add3A_401, %mul3A_408 : i32
          %add3A_410 = vector.broadcast %mul3A_409 : i32 to vector<16xi32>
          %add3A_411 = arith.addi %iota3A, %add3A_410 : vector<16xi32>
          %gt3A_412 = arith.cmpf ogt, %get3A_407, %gather3A_156 : vector<16xf32>
          %eq3A_413 = arith.cmpf oeq, %get3A_407, %gather3A_156 : vector<16xf32>
          %lt3A_414 = vector.broadcast %add3A_157 : i32 to vector<16xi32>
          %lt3A_415 = arith.cmpi slt, %add3A_411, %lt3A_414 : vector<16xi32>
          %and3A_416 = arith.andi %eq3A_413, %lt3A_415 : vector<16xi1>
          %or3A_417 = arith.ori %gt3A_412, %and3A_416 : vector<16xi1>
          %select_n3A_418 = arith.select %or3A_417, %broadcast_in_dim3A_5, %broadcast_in_dim3A_7 : vector<16xi1>, vector<16xf32>
          %add3A_419 = arith.addf %add3A_397, %select_n3A_418 : vector<16xf32>
          %mul3A_420 = arith.constant 16 : i32
          %mul3A_421 = arith.muli %scan3A_178, %mul3A_420 : i32
          %add3A_422 = arith.constant 11 : i32
          %add3A_423 = arith.addi %mul3A_421, %add3A_422 : i32
          %mul3A_424 = arith.constant 16 : i32
          %mul3A_425 = arith.muli %add3A_423, %mul3A_424 : i32
          %get3A_426 = arith.index_cast %scan3A_148 : i32 to index
          %get3A_427 = arith.index_cast %mul3A_425 : i32 to index
          %get3A_428 = tpu.vector_load %arg8[%get3A_426, %get3A_427] {strides = array<i32>} : memref<8x4096xf32, #tpu.memory_space<vmem>>, vector<1x16xf32>,
          %get3A_429 = vector.shape_cast %get3A_428 : vector<1x16xf32> to vector<16xf32>
          %mul3A_430 = arith.constant 16 : i32
          %mul3A_431 = arith.muli %add3A_423, %mul3A_430 : i32
          %add3A_432 = vector.broadcast %mul3A_431 : i32 to vector<16xi32>
          %add3A_433 = arith.addi %iota3A, %add3A_432 : vector<16xi32>
          %gt3A_434 = arith.cmpf ogt, %get3A_429, %gather3A_156 : vector<16xf32>
          %eq3A_435 = arith.cmpf oeq, %get3A_429, %gather3A_156 : vector<16xf32>
          %lt3A_436 = vector.broadcast %add3A_157 : i32 to vector<16xi32>
          %lt3A_437 = arith.cmpi slt, %add3A_433, %lt3A_436 : vector<16xi32>
          %and3A_438 = arith.andi %eq3A_435, %lt3A_437 : vector<16xi1>
          %or3A_439 = arith.ori %gt3A_434, %and3A_438 : vector<16xi1>
          %select_n3A_440 = arith.select %or3A_439, %broadcast_in_dim3A_5, %broadcast_in_dim3A_7 : vector<16xi1>, vector<16xf32>
          %add3A_441 = arith.addf %add3A_419, %select_n3A_440 : vector<16xf32>
          %mul3A_442 = arith.constant 16 : i32
          %mul3A_443 = arith.muli %scan3A_178, %mul3A_442 : i32
          %add3A_444 = arith.constant 12 : i32
          %add3A_445 = arith.addi %mul3A_443, %add3A_444 : i32
          %mul3A_446 = arith.constant 16 : i32
          %mul3A_447 = arith.muli %add3A_445, %mul3A_446 : i32
          %get3A_448 = arith.index_cast %scan3A_148 : i32 to index
          %get3A_449 = arith.index_cast %mul3A_447 : i32 to index
          %get3A_450 = tpu.vector_load %arg8[%get3A_448, %get3A_449] {strides = array<i32>} : memref<8x4096xf32, #tpu.memory_space<vmem>>, vector<1x16xf32>,
          %get3A_451 = vector.shape_cast %get3A_450 : vector<1x16xf32> to vector<16xf32>
          %mul3A_452 = arith.constant 16 : i32
          %mul3A_453 = arith.muli %add3A_445, %mul3A_452 : i32
          %add3A_454 = vector.broadcast %mul3A_453 : i32 to vector<16xi32>
          %add3A_455 = arith.addi %iota3A, %add3A_454 : vector<16xi32>
          %gt3A_456 = arith.cmpf ogt, %get3A_451, %gather3A_156 : vector<16xf32>
          %eq3A_457 = arith.cmpf oeq, %get3A_451, %gather3A_156 : vector<16xf32>
          %lt3A_458 = vector.broadcast %add3A_157 : i32 to vector<16xi32>
          %lt3A_459 = arith.cmpi slt, %add3A_455, %lt3A_458 : vector<16xi32>
          %and3A_460 = arith.andi %eq3A_457, %lt3A_459 : vector<16xi1>
          %or3A_461 = arith.ori %gt3A_456, %and3A_460 : vector<16xi1>
          %select_n3A_462 = arith.select %or3A_461, %broadcast_in_dim3A_5, %broadcast_in_dim3A_7 : vector<16xi1>, vector<16xf32>
          %add3A_463 = arith.addf %add3A_441, %select_n3A_462 : vector<16xf32>
          %mul3A_464 = arith.constant 16 : i32
          %mul3A_465 = arith.muli %scan3A_178, %mul3A_464 : i32
          %add3A_466 = arith.constant 13 : i32
          %add3A_467 = arith.addi %mul3A_465, %add3A_466 : i32
          %mul3A_468 = arith.constant 16 : i32
          %mul3A_469 = arith.muli %add3A_467, %mul3A_468 : i32
          %get3A_470 = arith.index_cast %scan3A_148 : i32 to index
          %get3A_471 = arith.index_cast %mul3A_469 : i32 to index
          %get3A_472 = tpu.vector_load %arg8[%get3A_470, %get3A_471] {strides = array<i32>} : memref<8x4096xf32, #tpu.memory_space<vmem>>, vector<1x16xf32>,
          %get3A_473 = vector.shape_cast %get3A_472 : vector<1x16xf32> to vector<16xf32>
          %mul3A_474 = arith.constant 16 : i32
          %mul3A_475 = arith.muli %add3A_467, %mul3A_474 : i32
          %add3A_476 = vector.broadcast %mul3A_475 : i32 to vector<16xi32>
          %add3A_477 = arith.addi %iota3A, %add3A_476 : vector<16xi32>
          %gt3A_478 = arith.cmpf ogt, %get3A_473, %gather3A_156 : vector<16xf32>
          %eq3A_479 = arith.cmpf oeq, %get3A_473, %gather3A_156 : vector<16xf32>
          %lt3A_480 = vector.broadcast %add3A_157 : i32 to vector<16xi32>
          %lt3A_481 = arith.cmpi slt, %add3A_477, %lt3A_480 : vector<16xi32>
          %and3A_482 = arith.andi %eq3A_479, %lt3A_481 : vector<16xi1>
          %or3A_483 = arith.ori %gt3A_478, %and3A_482 : vector<16xi1>
          %select_n3A_484 = arith.select %or3A_483, %broadcast_in_dim3A_5, %broadcast_in_dim3A_7 : vector<16xi1>, vector<16xf32>
          %add3A_485 = arith.addf %add3A_463, %select_n3A_484 : vector<16xf32>
          %mul3A_486 = arith.constant 16 : i32
          %mul3A_487 = arith.muli %scan3A_178, %mul3A_486 : i32
          %add3A_488 = arith.constant 14 : i32
          %add3A_489 = arith.addi %mul3A_487, %add3A_488 : i32
          %mul3A_490 = arith.constant 16 : i32
          %mul3A_491 = arith.muli %add3A_489, %mul3A_490 : i32
          %get3A_492 = arith.index_cast %scan3A_148 : i32 to index
          %get3A_493 = arith.index_cast %mul3A_491 : i32 to index
          %get3A_494 = tpu.vector_load %arg8[%get3A_492, %get3A_493] {strides = array<i32>} : memref<8x4096xf32, #tpu.memory_space<vmem>>, vector<1x16xf32>,
          %get3A_495 = vector.shape_cast %get3A_494 : vector<1x16xf32> to vector<16xf32>
          %mul3A_496 = arith.constant 16 : i32
          %mul3A_497 = arith.muli %add3A_489, %mul3A_496 : i32
          %add3A_498 = vector.broadcast %mul3A_497 : i32 to vector<16xi32>
          %add3A_499 = arith.addi %iota3A, %add3A_498 : vector<16xi32>
          %gt3A_500 = arith.cmpf ogt, %get3A_495, %gather3A_156 : vector<16xf32>
          %eq3A_501 = arith.cmpf oeq, %get3A_495, %gather3A_156 : vector<16xf32>
          %lt3A_502 = vector.broadcast %add3A_157 : i32 to vector<16xi32>
          %lt3A_503 = arith.cmpi slt, %add3A_499, %lt3A_502 : vector<16xi32>
          %and3A_504 = arith.andi %eq3A_501, %lt3A_503 : vector<16xi1>
          %or3A_505 = arith.ori %gt3A_500, %and3A_504 : vector<16xi1>
          %select_n3A_506 = arith.select %or3A_505, %broadcast_in_dim3A_5, %broadcast_in_dim3A_7 : vector<16xi1>, vector<16xf32>
          %add3A_507 = arith.addf %add3A_485, %select_n3A_506 : vector<16xf32>
          %mul3A_508 = arith.constant 16 : i32
          %mul3A_509 = arith.muli %scan3A_178, %mul3A_508 : i32
          %add3A_510 = arith.constant 15 : i32
          %add3A_511 = arith.addi %mul3A_509, %add3A_510 : i32
          %mul3A_512 = arith.constant 16 : i32
          %mul3A_513 = arith.muli %add3A_511, %mul3A_512 : i32
          %get3A_514 = arith.index_cast %scan3A_148 : i32 to index
          %get3A_515 = arith.index_cast %mul3A_513 : i32 to index
          %get3A_516 = tpu.vector_load %arg8[%get3A_514, %get3A_515] {strides = array<i32>} : memref<8x4096xf32, #tpu.memory_space<vmem>>, vector<1x16xf32>,
          %get3A_517 = vector.shape_cast %get3A_516 : vector<1x16xf32> to vector<16xf32>
          %mul3A_518 = arith.constant 16 : i32
          %mul3A_519 = arith.muli %add3A_511, %mul3A_518 : i32
          %add3A_520 = vector.broadcast %mul3A_519 : i32 to vector<16xi32>
          %add3A_521 = arith.addi %iota3A, %add3A_520 : vector<16xi32>
          %gt3A_522 = arith.cmpf ogt, %get3A_517, %gather3A_156 : vector<16xf32>
          %eq3A_523 = arith.cmpf oeq, %get3A_517, %gather3A_156 : vector<16xf32>
          %lt3A_524 = vector.broadcast %add3A_157 : i32 to vector<16xi32>
          %lt3A_525 = arith.cmpi slt, %add3A_521, %lt3A_524 : vector<16xi32>
          %and3A_526 = arith.andi %eq3A_523, %lt3A_525 : vector<16xi1>
          %or3A_527 = arith.ori %gt3A_522, %and3A_526 : vector<16xi1>
          %select_n3A_528 = arith.select %or3A_527, %broadcast_in_dim3A_5, %broadcast_in_dim3A_7 : vector<16xi1>, vector<16xf32>
          %add3A_529 = arith.addf %add3A_507, %select_n3A_528 : vector<16xf32>
          %get3A_530 = arith.constant 0 : index
          %get3A_531 = tpu.vector_load %arg11[%get3A_530] {strides = array<i32>} : memref<16xf32, #tpu.memory_space<vmem>>, vector<16xf32>,
          %get3A_532 = vector.shape_cast %get3A_531 : vector<16xf32> to vector<16xf32>
          %add3A_533 = arith.addf %get3A_532, %add3A_529 : vector<16xf32>
          %swap3A_534 = arith.constant 0 : index
          %swap3A_535 = tpu.vector_load %arg11[%swap3A_534] {strides = array<i32>} : memref<16xf32, #tpu.memory_space<vmem>>, vector<16xf32>,
          %swap3A_536 = vector.shape_cast %swap3A_535 : vector<16xf32> to vector<16xf32>
          %swap3A_537 = vector.shape_cast %add3A_533 : vector<16xf32> to vector<16xf32>
          tpu.vector_store %arg11[%swap3A_534], %swap3A_537 {strides = array<i32>} : memref<16xf32, #tpu.memory_space<vmem>>, vector<16xf32>,
          %scan3A_538 = arith.constant 0 : i32
          scf.yield %scan3A_538 : i32
        }
        %scan3A_167 = arith.constant 16 : i32
        %get3A_168 = arith.constant 0 : index
        %get3A_169 = tpu.vector_load %arg11[%get3A_168] {strides = array<i32>} : memref<16xf32, #tpu.memory_space<vmem>>, vector<16xf32>,
        %get3A_170 = vector.shape_cast %get3A_169 : vector<16xf32> to vector<16xf32>
        %mul3A_171 = arith.constant 16 : i32
        %mul3A_172 = arith.muli %add3A_152, %mul3A_171 : i32
        %swap3A_173 = arith.index_cast %mul3A_172 : i32 to index
        %swap3A_174 = tpu.vector_load %arg10[%swap3A_173] {strides = array<i32>} : memref<1024xf32, #tpu.memory_space<vmem>>, vector<16xf32>,
        %swap3A_175 = vector.shape_cast %swap3A_174 : vector<16xf32> to vector<16xf32>
        %swap3A_176 = vector.shape_cast %get3A_170 : vector<16xf32> to vector<16xf32>
        tpu.vector_store %arg10[%swap3A_173], %swap3A_176 {strides = array<i32>} : memref<1024xf32, #tpu.memory_space<vmem>>, vector<16xf32>,
        %scan3A_177 = arith.constant 0 : i32
        scf.yield %scan3A_177 : i32
      }
      %scan3A_80 = arith.constant 8 : i32
      %lt3A_81 = arith.constant 3 : i32
      %lt3A_82 = arith.cmpi slt, %scan3A_20, %lt3A_81 : i32
      %convert_element_type3A = arith.extui %lt3A_82 : i1 to i32
      %cond3A = arith.constant 0 : i32
      %cond3A_83 = arith.cmpi ne, %convert_element_type3A, %cond3A : i32
      scf.if %cond3A_83 {
        %mul3A_148 = arith.constant 2 : i32
        %mul3A_149 = arith.muli %mul3A_148, %scan3A_20 : i32
        %add3A_150 = arith.constant 2 : i32
        %add3A_151 = arith.addi %mul3A_149, %add3A_150 : i32
        %mul3A_152 = arith.constant 8 : i32
        %mul3A_153 = arith.muli %add3A_151, %mul3A_152 : i32
        %dma_start3A_154 = tpu.memref_slice %arg7[%mul3A_153] : memref<64xi32, #tpu.memory_space<vmem>> -> memref<8xi32, #tpu.memory_space<vmem>>
        %dma_start3A_155 = arith.constant 0 : i32
        %dma_start3A_156 = arith.constant 0 : i32
        %dma_start3A_157 = tpu.memref_slice %arg2[%dma_start3A_155, %dma_start3A_156] : memref<1024x4096xf32, #tpu.memory_space<hbm>> -> memref<1024x4096xf32, #tpu.memory_space<hbm>>
        tpu.enqueue_indirect_dma source(%dma_start3A_157 : memref<1024x4096xf32, #tpu.memory_space<hbm>>) target(%arg8 : memref<8x4096xf32, #tpu.memory_space<vmem>>) offsets(%dma_start3A_154 : memref<8xi32, #tpu.memory_space<vmem>>) semaphore(%arg12 : memref<!tpu.dma_semaphore, #tpu.memory_space<semaphore_mem>>)
      } else {
      }
      %dma_wait3A_84 = arith.constant 0 : i32
      %dma_wait3A_85 = tpu.memref_slice %arg7[%dma_wait3A_84] : memref<64xi32, #tpu.memory_space<vmem>> -> memref<8xi32, #tpu.memory_space<vmem>>
      %dma_wait3A_86 = arith.constant 0 : i32
      %dma_wait3A_87 = arith.constant 0 : i32
      %dma_wait3A_88 = tpu.memref_slice %arg2[%dma_wait3A_86, %dma_wait3A_87] : memref<1024x4096xf32, #tpu.memory_space<hbm>> -> memref<1024x4096xf32, #tpu.memory_space<hbm>>
      tpu.wait_indirect_dma semaphore(%arg13 : memref<!tpu.dma_semaphore, #tpu.memory_space<semaphore_mem>>) src(%dma_wait3A_88 : memref<1024x4096xf32, #tpu.memory_space<hbm>>) dst(%arg9 : memref<8x4096xf32, #tpu.memory_space<vmem>>)
      %mul3A_89 = arith.constant 2 : i32
      %mul3A_90 = arith.muli %mul3A_89, %scan3A_20 : i32
      %add3A_91 = arith.constant 1 : i32
      %add3A_92 = arith.addi %mul3A_90, %add3A_91 : i32
      %jit3A_93 = arith.constant 2 : i32
      %div3A_94 = arith.divsi %add3A_92, %jit3A_93 : i32
      %sign3A_95 = arith.constant 0 : i32
      %sign3A_96 = arith.cmpi sgt, %add3A_92, %sign3A_95 : i32
      %sign3A_97 = arith.extui %sign3A_96 : i1 to i32
      %sign3A_98 = arith.constant 0 : i32
      %sign3A_99 = arith.cmpi slt, %add3A_92, %sign3A_98 : i32
      %sign3A_100 = arith.extui %sign3A_99 : i1 to i32
      %sign3A_101 = arith.subi %sign3A_97, %sign3A_100 : i32
      %sign3A_102 = arith.constant 0 : i32
      %sign3A_103 = arith.cmpi sgt, %jit3A_93, %sign3A_102 : i32
      %sign3A_104 = arith.extui %sign3A_103 : i1 to i32
      %sign3A_105 = arith.constant 0 : i32
      %sign3A_106 = arith.cmpi slt, %jit3A_93, %sign3A_105 : i32
      %sign3A_107 = arith.extui %sign3A_106 : i1 to i32
      %sign3A_108 = arith.subi %sign3A_104, %sign3A_107 : i32
      %ne3A_109 = arith.cmpi ne, %sign3A_101, %sign3A_108 : i32
      %rem3A_110 = arith.remsi %add3A_92, %jit3A_93 : i32
      %ne3A_111 = arith.constant 0 : i32
      %ne3A_112 = arith.cmpi ne, %rem3A_110, %ne3A_111 : i32
      %and3A_113 = arith.andi %ne3A_109, %ne3A_112 : i1
      %sub3A_114 = arith.constant 1 : i32
      %sub3A_115 = arith.subi %div3A_94, %sub3A_114 : i32
      %select_n3A_116 = arith.select %and3A_113, %sub3A_115, %div3A_94 : i32
      %mul3A_117 = arith.constant 16 : i32
      %mul3A_118 = arith.muli %select_n3A_116, %mul3A_117 : i32
      %get3A_119 = arith.index_cast %mul3A_118 : i32 to index
      %get3A_120 = tpu.vector_load %arg6[%get3A_119] {strides = array<i32>} : memref<64xf32, #tpu.memory_space<vmem>>, vector<16xf32>,
      %get3A_121 = vector.shape_cast %get3A_120 : vector<16xf32> to vector<16xf32>
      %jit3A_122 = arith.constant 2 : i32
      %eq3A_123 = arith.constant 0 : i32
      %eq3A_124 = arith.cmpi eq, %jit3A_122, %eq3A_123 : i32
      %jit3A_125 = arith.constant 1 : i32
      %select_n3A_126 = arith.select %eq3A_124, %jit3A_125, %jit3A_122 : i32
      %rem3A_127 = arith.remsi %add3A_92, %select_n3A_126 : i32
      %ne3A_128 = arith.constant 0 : i32
      %ne3A_129 = arith.cmpi ne, %rem3A_127, %ne3A_128 : i32
      %lt3A_130 = arith.constant 0 : i32
      %lt3A_131 = arith.cmpi slt, %rem3A_127, %lt3A_130 : i32
      %lt3A_132 = arith.constant 0 : i32
      %lt3A_133 = arith.cmpi slt, %select_n3A_126, %lt3A_132 : i32
      %ne3A_134 = arith.xori %lt3A_131, %lt3A_133 : i1
      %and3A_135 = arith.andi %ne3A_134, %ne3A_129 : i1
      %add3A_136 = arith.addi %rem3A_127, %select_n3A_126 : i32
      %select_n3A_137 = arith.select %and3A_135, %add3A_136, %rem3A_127 : i32
      %mul3A_138 = arith.constant 8 : i32
      %mul3A_139 = arith.muli %select_n3A_137, %mul3A_138 : i32
      %scan3A_140 = arith.constant 0 : i32
      %scan3A_141 = arith.constant 0 : i32
      %scan3A_142 = arith.constant 8 : i32
      %scan3A_143 = arith.addi %scan3A_141, %scan3A_142 : i32
      %scan3A_144 = arith.constant 1 : i32
      %scan3A_145 = scf.for %scan3A_148 = %scan3A_141 to %scan3A_143 step %scan3A_144 iter_args(%scan3A_149 = %scan3A_140) -> (i32)  : i32 {
        %mul3A_150 = arith.constant 8 : i32
        %mul3A_151 = arith.muli %add3A_92, %mul3A_150 : i32
        %add3A_152 = arith.addi %mul3A_151, %scan3A_148 : i32
        %add3A_153 = arith.addi %mul3A_139, %scan3A_148 : i32
        %add3A_154 = vector.broadcast %add3A_153 : i32 to vector<16xi32>
        %add3A_155 = arith.addi %broadcast_in_dim3A_3, %add3A_154 : vector<16xi32>
        %reshape3A = vector.shape_cast %add3A_155 : vector<16xi32> to vector<16x1xi32>
        %gather3A = vector.shape_cast %reshape3A : vector<16x1xi32> to vector<16xi32>
        %gather3A_156 = tpu.dynamic_gather %get3A_121[%gather3A] in [0] : vector<16xf32>, vector<16xi32> -> vector<16xf32>
        %add3A_157 = arith.addi %mul3A_2, %add3A_152 : i32
        %swap3A = arith.constant 0 : index
        %swap3A_158 = tpu.vector_load %arg11[%swap3A] {strides = array<i32>} : memref<16xf32, #tpu.memory_space<vmem>>, vector<16xf32>,
        %swap3A_159 = vector.shape_cast %swap3A_158 : vector<16xf32> to vector<16xf32>
        %swap3A_160 = vector.shape_cast %broadcast_in_dim3A_7 : vector<16xf32> to vector<16xf32>
        tpu.vector_store %arg11[%swap3A], %swap3A_160 {strides = array<i32>} : memref<16xf32, #tpu.memory_space<vmem>>, vector<16xf32>,
        %scan3A_161 = arith.constant 0 : i32
        %scan3A_162 = arith.constant 0 : i32
        %scan3A_163 = arith.constant 16 : i32
        %scan3A_164 = arith.addi %scan3A_162, %scan3A_163 : i32
        %scan3A_165 = arith.constant 1 : i32
        %scan3A_166 = scf.for %scan3A_178 = %scan3A_162 to %scan3A_164 step %scan3A_165 iter_args(%scan3A_179 = %scan3A_161) -> (i32)  : i32 {
          %mul3A_180 = arith.constant 16 : i32
          %mul3A_181 = arith.muli %scan3A_178, %mul3A_180 : i32
          %add3A_182 = arith.constant 0 : i32
          %add3A_183 = arith.addi %mul3A_181, %add3A_182 : i32
          %mul3A_184 = arith.constant 16 : i32
          %mul3A_185 = arith.muli %add3A_183, %mul3A_184 : i32
          %get3A_186 = arith.index_cast %scan3A_148 : i32 to index
          %get3A_187 = arith.index_cast %mul3A_185 : i32 to index
          %get3A_188 = tpu.vector_load %arg9[%get3A_186, %get3A_187] {strides = array<i32>} : memref<8x4096xf32, #tpu.memory_space<vmem>>, vector<1x16xf32>,
          %get3A_189 = vector.shape_cast %get3A_188 : vector<1x16xf32> to vector<16xf32>
          %mul3A_190 = arith.constant 16 : i32
          %mul3A_191 = arith.muli %add3A_183, %mul3A_190 : i32
          %add3A_192 = vector.broadcast %mul3A_191 : i32 to vector<16xi32>
          %add3A_193 = arith.addi %iota3A, %add3A_192 : vector<16xi32>
          %gt3A = arith.cmpf ogt, %get3A_189, %gather3A_156 : vector<16xf32>
          %eq3A_194 = arith.cmpf oeq, %get3A_189, %gather3A_156 : vector<16xf32>
          %lt3A_195 = vector.broadcast %add3A_157 : i32 to vector<16xi32>
          %lt3A_196 = arith.cmpi slt, %add3A_193, %lt3A_195 : vector<16xi32>
          %and3A_197 = arith.andi %eq3A_194, %lt3A_196 : vector<16xi1>
          %or3A = arith.ori %gt3A, %and3A_197 : vector<16xi1>
          %select_n3A_198 = arith.select %or3A, %broadcast_in_dim3A_5, %broadcast_in_dim3A_7 : vector<16xi1>, vector<16xf32>
          %add3A_199 = arith.addf %broadcast_in_dim3A_7, %select_n3A_198 : vector<16xf32>
          %mul3A_200 = arith.constant 16 : i32
          %mul3A_201 = arith.muli %scan3A_178, %mul3A_200 : i32
          %add3A_202 = arith.constant 1 : i32
          %add3A_203 = arith.addi %mul3A_201, %add3A_202 : i32
          %mul3A_204 = arith.constant 16 : i32
          %mul3A_205 = arith.muli %add3A_203, %mul3A_204 : i32
          %get3A_206 = arith.index_cast %scan3A_148 : i32 to index
          %get3A_207 = arith.index_cast %mul3A_205 : i32 to index
          %get3A_208 = tpu.vector_load %arg9[%get3A_206, %get3A_207] {strides = array<i32>} : memref<8x4096xf32, #tpu.memory_space<vmem>>, vector<1x16xf32>,
          %get3A_209 = vector.shape_cast %get3A_208 : vector<1x16xf32> to vector<16xf32>
          %mul3A_210 = arith.constant 16 : i32
          %mul3A_211 = arith.muli %add3A_203, %mul3A_210 : i32
          %add3A_212 = vector.broadcast %mul3A_211 : i32 to vector<16xi32>
          %add3A_213 = arith.addi %iota3A, %add3A_212 : vector<16xi32>
          %gt3A_214 = arith.cmpf ogt, %get3A_209, %gather3A_156 : vector<16xf32>
          %eq3A_215 = arith.cmpf oeq, %get3A_209, %gather3A_156 : vector<16xf32>
          %lt3A_216 = vector.broadcast %add3A_157 : i32 to vector<16xi32>
          %lt3A_217 = arith.cmpi slt, %add3A_213, %lt3A_216 : vector<16xi32>
          %and3A_218 = arith.andi %eq3A_215, %lt3A_217 : vector<16xi1>
          %or3A_219 = arith.ori %gt3A_214, %and3A_218 : vector<16xi1>
          %select_n3A_220 = arith.select %or3A_219, %broadcast_in_dim3A_5, %broadcast_in_dim3A_7 : vector<16xi1>, vector<16xf32>
          %add3A_221 = arith.addf %add3A_199, %select_n3A_220 : vector<16xf32>
          %mul3A_222 = arith.constant 16 : i32
          %mul3A_223 = arith.muli %scan3A_178, %mul3A_222 : i32
          %add3A_224 = arith.constant 2 : i32
          %add3A_225 = arith.addi %mul3A_223, %add3A_224 : i32
          %mul3A_226 = arith.constant 16 : i32
          %mul3A_227 = arith.muli %add3A_225, %mul3A_226 : i32
          %get3A_228 = arith.index_cast %scan3A_148 : i32 to index
          %get3A_229 = arith.index_cast %mul3A_227 : i32 to index
          %get3A_230 = tpu.vector_load %arg9[%get3A_228, %get3A_229] {strides = array<i32>} : memref<8x4096xf32, #tpu.memory_space<vmem>>, vector<1x16xf32>,
          %get3A_231 = vector.shape_cast %get3A_230 : vector<1x16xf32> to vector<16xf32>
          %mul3A_232 = arith.constant 16 : i32
          %mul3A_233 = arith.muli %add3A_225, %mul3A_232 : i32
          %add3A_234 = vector.broadcast %mul3A_233 : i32 to vector<16xi32>
          %add3A_235 = arith.addi %iota3A, %add3A_234 : vector<16xi32>
          %gt3A_236 = arith.cmpf ogt, %get3A_231, %gather3A_156 : vector<16xf32>
          %eq3A_237 = arith.cmpf oeq, %get3A_231, %gather3A_156 : vector<16xf32>
          %lt3A_238 = vector.broadcast %add3A_157 : i32 to vector<16xi32>
          %lt3A_239 = arith.cmpi slt, %add3A_235, %lt3A_238 : vector<16xi32>
          %and3A_240 = arith.andi %eq3A_237, %lt3A_239 : vector<16xi1>
          %or3A_241 = arith.ori %gt3A_236, %and3A_240 : vector<16xi1>
          %select_n3A_242 = arith.select %or3A_241, %broadcast_in_dim3A_5, %broadcast_in_dim3A_7 : vector<16xi1>, vector<16xf32>
          %add3A_243 = arith.addf %add3A_221, %select_n3A_242 : vector<16xf32>
          %mul3A_244 = arith.constant 16 : i32
          %mul3A_245 = arith.muli %scan3A_178, %mul3A_244 : i32
          %add3A_246 = arith.constant 3 : i32
          %add3A_247 = arith.addi %mul3A_245, %add3A_246 : i32
          %mul3A_248 = arith.constant 16 : i32
          %mul3A_249 = arith.muli %add3A_247, %mul3A_248 : i32
          %get3A_250 = arith.index_cast %scan3A_148 : i32 to index
          %get3A_251 = arith.index_cast %mul3A_249 : i32 to index
          %get3A_252 = tpu.vector_load %arg9[%get3A_250, %get3A_251] {strides = array<i32>} : memref<8x4096xf32, #tpu.memory_space<vmem>>, vector<1x16xf32>,
          %get3A_253 = vector.shape_cast %get3A_252 : vector<1x16xf32> to vector<16xf32>
          %mul3A_254 = arith.constant 16 : i32
          %mul3A_255 = arith.muli %add3A_247, %mul3A_254 : i32
          %add3A_256 = vector.broadcast %mul3A_255 : i32 to vector<16xi32>
          %add3A_257 = arith.addi %iota3A, %add3A_256 : vector<16xi32>
          %gt3A_258 = arith.cmpf ogt, %get3A_253, %gather3A_156 : vector<16xf32>
          %eq3A_259 = arith.cmpf oeq, %get3A_253, %gather3A_156 : vector<16xf32>
          %lt3A_260 = vector.broadcast %add3A_157 : i32 to vector<16xi32>
          %lt3A_261 = arith.cmpi slt, %add3A_257, %lt3A_260 : vector<16xi32>
          %and3A_262 = arith.andi %eq3A_259, %lt3A_261 : vector<16xi1>
          %or3A_263 = arith.ori %gt3A_258, %and3A_262 : vector<16xi1>
          %select_n3A_264 = arith.select %or3A_263, %broadcast_in_dim3A_5, %broadcast_in_dim3A_7 : vector<16xi1>, vector<16xf32>
          %add3A_265 = arith.addf %add3A_243, %select_n3A_264 : vector<16xf32>
          %mul3A_266 = arith.constant 16 : i32
          %mul3A_267 = arith.muli %scan3A_178, %mul3A_266 : i32
          %add3A_268 = arith.constant 4 : i32
          %add3A_269 = arith.addi %mul3A_267, %add3A_268 : i32
          %mul3A_270 = arith.constant 16 : i32
          %mul3A_271 = arith.muli %add3A_269, %mul3A_270 : i32
          %get3A_272 = arith.index_cast %scan3A_148 : i32 to index
          %get3A_273 = arith.index_cast %mul3A_271 : i32 to index
          %get3A_274 = tpu.vector_load %arg9[%get3A_272, %get3A_273] {strides = array<i32>} : memref<8x4096xf32, #tpu.memory_space<vmem>>, vector<1x16xf32>,
          %get3A_275 = vector.shape_cast %get3A_274 : vector<1x16xf32> to vector<16xf32>
          %mul3A_276 = arith.constant 16 : i32
          %mul3A_277 = arith.muli %add3A_269, %mul3A_276 : i32
          %add3A_278 = vector.broadcast %mul3A_277 : i32 to vector<16xi32>
          %add3A_279 = arith.addi %iota3A, %add3A_278 : vector<16xi32>
          %gt3A_280 = arith.cmpf ogt, %get3A_275, %gather3A_156 : vector<16xf32>
          %eq3A_281 = arith.cmpf oeq, %get3A_275, %gather3A_156 : vector<16xf32>
          %lt3A_282 = vector.broadcast %add3A_157 : i32 to vector<16xi32>
          %lt3A_283 = arith.cmpi slt, %add3A_279, %lt3A_282 : vector<16xi32>
          %and3A_284 = arith.andi %eq3A_281, %lt3A_283 : vector<16xi1>
          %or3A_285 = arith.ori %gt3A_280, %and3A_284 : vector<16xi1>
          %select_n3A_286 = arith.select %or3A_285, %broadcast_in_dim3A_5, %broadcast_in_dim3A_7 : vector<16xi1>, vector<16xf32>
          %add3A_287 = arith.addf %add3A_265, %select_n3A_286 : vector<16xf32>
          %mul3A_288 = arith.constant 16 : i32
          %mul3A_289 = arith.muli %scan3A_178, %mul3A_288 : i32
          %add3A_290 = arith.constant 5 : i32
          %add3A_291 = arith.addi %mul3A_289, %add3A_290 : i32
          %mul3A_292 = arith.constant 16 : i32
          %mul3A_293 = arith.muli %add3A_291, %mul3A_292 : i32
          %get3A_294 = arith.index_cast %scan3A_148 : i32 to index
          %get3A_295 = arith.index_cast %mul3A_293 : i32 to index
          %get3A_296 = tpu.vector_load %arg9[%get3A_294, %get3A_295] {strides = array<i32>} : memref<8x4096xf32, #tpu.memory_space<vmem>>, vector<1x16xf32>,
          %get3A_297 = vector.shape_cast %get3A_296 : vector<1x16xf32> to vector<16xf32>
          %mul3A_298 = arith.constant 16 : i32
          %mul3A_299 = arith.muli %add3A_291, %mul3A_298 : i32
          %add3A_300 = vector.broadcast %mul3A_299 : i32 to vector<16xi32>
          %add3A_301 = arith.addi %iota3A, %add3A_300 : vector<16xi32>
          %gt3A_302 = arith.cmpf ogt, %get3A_297, %gather3A_156 : vector<16xf32>
          %eq3A_303 = arith.cmpf oeq, %get3A_297, %gather3A_156 : vector<16xf32>
          %lt3A_304 = vector.broadcast %add3A_157 : i32 to vector<16xi32>
          %lt3A_305 = arith.cmpi slt, %add3A_301, %lt3A_304 : vector<16xi32>
          %and3A_306 = arith.andi %eq3A_303, %lt3A_305 : vector<16xi1>
          %or3A_307 = arith.ori %gt3A_302, %and3A_306 : vector<16xi1>
          %select_n3A_308 = arith.select %or3A_307, %broadcast_in_dim3A_5, %broadcast_in_dim3A_7 : vector<16xi1>, vector<16xf32>
          %add3A_309 = arith.addf %add3A_287, %select_n3A_308 : vector<16xf32>
          %mul3A_310 = arith.constant 16 : i32
          %mul3A_311 = arith.muli %scan3A_178, %mul3A_310 : i32
          %add3A_312 = arith.constant 6 : i32
          %add3A_313 = arith.addi %mul3A_311, %add3A_312 : i32
          %mul3A_314 = arith.constant 16 : i32
          %mul3A_315 = arith.muli %add3A_313, %mul3A_314 : i32
          %get3A_316 = arith.index_cast %scan3A_148 : i32 to index
          %get3A_317 = arith.index_cast %mul3A_315 : i32 to index
          %get3A_318 = tpu.vector_load %arg9[%get3A_316, %get3A_317] {strides = array<i32>} : memref<8x4096xf32, #tpu.memory_space<vmem>>, vector<1x16xf32>,
          %get3A_319 = vector.shape_cast %get3A_318 : vector<1x16xf32> to vector<16xf32>
          %mul3A_320 = arith.constant 16 : i32
          %mul3A_321 = arith.muli %add3A_313, %mul3A_320 : i32
          %add3A_322 = vector.broadcast %mul3A_321 : i32 to vector<16xi32>
          %add3A_323 = arith.addi %iota3A, %add3A_322 : vector<16xi32>
          %gt3A_324 = arith.cmpf ogt, %get3A_319, %gather3A_156 : vector<16xf32>
          %eq3A_325 = arith.cmpf oeq, %get3A_319, %gather3A_156 : vector<16xf32>
          %lt3A_326 = vector.broadcast %add3A_157 : i32 to vector<16xi32>
          %lt3A_327 = arith.cmpi slt, %add3A_323, %lt3A_326 : vector<16xi32>
          %and3A_328 = arith.andi %eq3A_325, %lt3A_327 : vector<16xi1>
          %or3A_329 = arith.ori %gt3A_324, %and3A_328 : vector<16xi1>
          %select_n3A_330 = arith.select %or3A_329, %broadcast_in_dim3A_5, %broadcast_in_dim3A_7 : vector<16xi1>, vector<16xf32>
          %add3A_331 = arith.addf %add3A_309, %select_n3A_330 : vector<16xf32>
          %mul3A_332 = arith.constant 16 : i32
          %mul3A_333 = arith.muli %scan3A_178, %mul3A_332 : i32
          %add3A_334 = arith.constant 7 : i32
          %add3A_335 = arith.addi %mul3A_333, %add3A_334 : i32
          %mul3A_336 = arith.constant 16 : i32
          %mul3A_337 = arith.muli %add3A_335, %mul3A_336 : i32
          %get3A_338 = arith.index_cast %scan3A_148 : i32 to index
          %get3A_339 = arith.index_cast %mul3A_337 : i32 to index
          %get3A_340 = tpu.vector_load %arg9[%get3A_338, %get3A_339] {strides = array<i32>} : memref<8x4096xf32, #tpu.memory_space<vmem>>, vector<1x16xf32>,
          %get3A_341 = vector.shape_cast %get3A_340 : vector<1x16xf32> to vector<16xf32>
          %mul3A_342 = arith.constant 16 : i32
          %mul3A_343 = arith.muli %add3A_335, %mul3A_342 : i32
          %add3A_344 = vector.broadcast %mul3A_343 : i32 to vector<16xi32>
          %add3A_345 = arith.addi %iota3A, %add3A_344 : vector<16xi32>
          %gt3A_346 = arith.cmpf ogt, %get3A_341, %gather3A_156 : vector<16xf32>
          %eq3A_347 = arith.cmpf oeq, %get3A_341, %gather3A_156 : vector<16xf32>
          %lt3A_348 = vector.broadcast %add3A_157 : i32 to vector<16xi32>
          %lt3A_349 = arith.cmpi slt, %add3A_345, %lt3A_348 : vector<16xi32>
          %and3A_350 = arith.andi %eq3A_347, %lt3A_349 : vector<16xi1>
          %or3A_351 = arith.ori %gt3A_346, %and3A_350 : vector<16xi1>
          %select_n3A_352 = arith.select %or3A_351, %broadcast_in_dim3A_5, %broadcast_in_dim3A_7 : vector<16xi1>, vector<16xf32>
          %add3A_353 = arith.addf %add3A_331, %select_n3A_352 : vector<16xf32>
          %mul3A_354 = arith.constant 16 : i32
          %mul3A_355 = arith.muli %scan3A_178, %mul3A_354 : i32
          %add3A_356 = arith.constant 8 : i32
          %add3A_357 = arith.addi %mul3A_355, %add3A_356 : i32
          %mul3A_358 = arith.constant 16 : i32
          %mul3A_359 = arith.muli %add3A_357, %mul3A_358 : i32
          %get3A_360 = arith.index_cast %scan3A_148 : i32 to index
          %get3A_361 = arith.index_cast %mul3A_359 : i32 to index
          %get3A_362 = tpu.vector_load %arg9[%get3A_360, %get3A_361] {strides = array<i32>} : memref<8x4096xf32, #tpu.memory_space<vmem>>, vector<1x16xf32>,
          %get3A_363 = vector.shape_cast %get3A_362 : vector<1x16xf32> to vector<16xf32>
          %mul3A_364 = arith.constant 16 : i32
          %mul3A_365 = arith.muli %add3A_357, %mul3A_364 : i32
          %add3A_366 = vector.broadcast %mul3A_365 : i32 to vector<16xi32>
          %add3A_367 = arith.addi %iota3A, %add3A_366 : vector<16xi32>
          %gt3A_368 = arith.cmpf ogt, %get3A_363, %gather3A_156 : vector<16xf32>
          %eq3A_369 = arith.cmpf oeq, %get3A_363, %gather3A_156 : vector<16xf32>
          %lt3A_370 = vector.broadcast %add3A_157 : i32 to vector<16xi32>
          %lt3A_371 = arith.cmpi slt, %add3A_367, %lt3A_370 : vector<16xi32>
          %and3A_372 = arith.andi %eq3A_369, %lt3A_371 : vector<16xi1>
          %or3A_373 = arith.ori %gt3A_368, %and3A_372 : vector<16xi1>
          %select_n3A_374 = arith.select %or3A_373, %broadcast_in_dim3A_5, %broadcast_in_dim3A_7 : vector<16xi1>, vector<16xf32>
          %add3A_375 = arith.addf %add3A_353, %select_n3A_374 : vector<16xf32>
          %mul3A_376 = arith.constant 16 : i32
          %mul3A_377 = arith.muli %scan3A_178, %mul3A_376 : i32
          %add3A_378 = arith.constant 9 : i32
          %add3A_379 = arith.addi %mul3A_377, %add3A_378 : i32
          %mul3A_380 = arith.constant 16 : i32
          %mul3A_381 = arith.muli %add3A_379, %mul3A_380 : i32
          %get3A_382 = arith.index_cast %scan3A_148 : i32 to index
          %get3A_383 = arith.index_cast %mul3A_381 : i32 to index
          %get3A_384 = tpu.vector_load %arg9[%get3A_382, %get3A_383] {strides = array<i32>} : memref<8x4096xf32, #tpu.memory_space<vmem>>, vector<1x16xf32>,
          %get3A_385 = vector.shape_cast %get3A_384 : vector<1x16xf32> to vector<16xf32>
          %mul3A_386 = arith.constant 16 : i32
          %mul3A_387 = arith.muli %add3A_379, %mul3A_386 : i32
          %add3A_388 = vector.broadcast %mul3A_387 : i32 to vector<16xi32>
          %add3A_389 = arith.addi %iota3A, %add3A_388 : vector<16xi32>
          %gt3A_390 = arith.cmpf ogt, %get3A_385, %gather3A_156 : vector<16xf32>
          %eq3A_391 = arith.cmpf oeq, %get3A_385, %gather3A_156 : vector<16xf32>
          %lt3A_392 = vector.broadcast %add3A_157 : i32 to vector<16xi32>
          %lt3A_393 = arith.cmpi slt, %add3A_389, %lt3A_392 : vector<16xi32>
          %and3A_394 = arith.andi %eq3A_391, %lt3A_393 : vector<16xi1>
          %or3A_395 = arith.ori %gt3A_390, %and3A_394 : vector<16xi1>
          %select_n3A_396 = arith.select %or3A_395, %broadcast_in_dim3A_5, %broadcast_in_dim3A_7 : vector<16xi1>, vector<16xf32>
          %add3A_397 = arith.addf %add3A_375, %select_n3A_396 : vector<16xf32>
          %mul3A_398 = arith.constant 16 : i32
          %mul3A_399 = arith.muli %scan3A_178, %mul3A_398 : i32
          %add3A_400 = arith.constant 10 : i32
          %add3A_401 = arith.addi %mul3A_399, %add3A_400 : i32
          %mul3A_402 = arith.constant 16 : i32
          %mul3A_403 = arith.muli %add3A_401, %mul3A_402 : i32
          %get3A_404 = arith.index_cast %scan3A_148 : i32 to index
          %get3A_405 = arith.index_cast %mul3A_403 : i32 to index
          %get3A_406 = tpu.vector_load %arg9[%get3A_404, %get3A_405] {strides = array<i32>} : memref<8x4096xf32, #tpu.memory_space<vmem>>, vector<1x16xf32>,
          %get3A_407 = vector.shape_cast %get3A_406 : vector<1x16xf32> to vector<16xf32>
          %mul3A_408 = arith.constant 16 : i32
          %mul3A_409 = arith.muli %add3A_401, %mul3A_408 : i32
          %add3A_410 = vector.broadcast %mul3A_409 : i32 to vector<16xi32>
          %add3A_411 = arith.addi %iota3A, %add3A_410 : vector<16xi32>
          %gt3A_412 = arith.cmpf ogt, %get3A_407, %gather3A_156 : vector<16xf32>
          %eq3A_413 = arith.cmpf oeq, %get3A_407, %gather3A_156 : vector<16xf32>
          %lt3A_414 = vector.broadcast %add3A_157 : i32 to vector<16xi32>
          %lt3A_415 = arith.cmpi slt, %add3A_411, %lt3A_414 : vector<16xi32>
          %and3A_416 = arith.andi %eq3A_413, %lt3A_415 : vector<16xi1>
          %or3A_417 = arith.ori %gt3A_412, %and3A_416 : vector<16xi1>
          %select_n3A_418 = arith.select %or3A_417, %broadcast_in_dim3A_5, %broadcast_in_dim3A_7 : vector<16xi1>, vector<16xf32>
          %add3A_419 = arith.addf %add3A_397, %select_n3A_418 : vector<16xf32>
          %mul3A_420 = arith.constant 16 : i32
          %mul3A_421 = arith.muli %scan3A_178, %mul3A_420 : i32
          %add3A_422 = arith.constant 11 : i32
          %add3A_423 = arith.addi %mul3A_421, %add3A_422 : i32
          %mul3A_424 = arith.constant 16 : i32
          %mul3A_425 = arith.muli %add3A_423, %mul3A_424 : i32
          %get3A_426 = arith.index_cast %scan3A_148 : i32 to index
          %get3A_427 = arith.index_cast %mul3A_425 : i32 to index
          %get3A_428 = tpu.vector_load %arg9[%get3A_426, %get3A_427] {strides = array<i32>} : memref<8x4096xf32, #tpu.memory_space<vmem>>, vector<1x16xf32>,
          %get3A_429 = vector.shape_cast %get3A_428 : vector<1x16xf32> to vector<16xf32>
          %mul3A_430 = arith.constant 16 : i32
          %mul3A_431 = arith.muli %add3A_423, %mul3A_430 : i32
          %add3A_432 = vector.broadcast %mul3A_431 : i32 to vector<16xi32>
          %add3A_433 = arith.addi %iota3A, %add3A_432 : vector<16xi32>
          %gt3A_434 = arith.cmpf ogt, %get3A_429, %gather3A_156 : vector<16xf32>
          %eq3A_435 = arith.cmpf oeq, %get3A_429, %gather3A_156 : vector<16xf32>
          %lt3A_436 = vector.broadcast %add3A_157 : i32 to vector<16xi32>
          %lt3A_437 = arith.cmpi slt, %add3A_433, %lt3A_436 : vector<16xi32>
          %and3A_438 = arith.andi %eq3A_435, %lt3A_437 : vector<16xi1>
          %or3A_439 = arith.ori %gt3A_434, %and3A_438 : vector<16xi1>
          %select_n3A_440 = arith.select %or3A_439, %broadcast_in_dim3A_5, %broadcast_in_dim3A_7 : vector<16xi1>, vector<16xf32>
          %add3A_441 = arith.addf %add3A_419, %select_n3A_440 : vector<16xf32>
          %mul3A_442 = arith.constant 16 : i32
          %mul3A_443 = arith.muli %scan3A_178, %mul3A_442 : i32
          %add3A_444 = arith.constant 12 : i32
          %add3A_445 = arith.addi %mul3A_443, %add3A_444 : i32
          %mul3A_446 = arith.constant 16 : i32
          %mul3A_447 = arith.muli %add3A_445, %mul3A_446 : i32
          %get3A_448 = arith.index_cast %scan3A_148 : i32 to index
          %get3A_449 = arith.index_cast %mul3A_447 : i32 to index
          %get3A_450 = tpu.vector_load %arg9[%get3A_448, %get3A_449] {strides = array<i32>} : memref<8x4096xf32, #tpu.memory_space<vmem>>, vector<1x16xf32>,
          %get3A_451 = vector.shape_cast %get3A_450 : vector<1x16xf32> to vector<16xf32>
          %mul3A_452 = arith.constant 16 : i32
          %mul3A_453 = arith.muli %add3A_445, %mul3A_452 : i32
          %add3A_454 = vector.broadcast %mul3A_453 : i32 to vector<16xi32>
          %add3A_455 = arith.addi %iota3A, %add3A_454 : vector<16xi32>
          %gt3A_456 = arith.cmpf ogt, %get3A_451, %gather3A_156 : vector<16xf32>
          %eq3A_457 = arith.cmpf oeq, %get3A_451, %gather3A_156 : vector<16xf32>
          %lt3A_458 = vector.broadcast %add3A_157 : i32 to vector<16xi32>
          %lt3A_459 = arith.cmpi slt, %add3A_455, %lt3A_458 : vector<16xi32>
          %and3A_460 = arith.andi %eq3A_457, %lt3A_459 : vector<16xi1>
          %or3A_461 = arith.ori %gt3A_456, %and3A_460 : vector<16xi1>
          %select_n3A_462 = arith.select %or3A_461, %broadcast_in_dim3A_5, %broadcast_in_dim3A_7 : vector<16xi1>, vector<16xf32>
          %add3A_463 = arith.addf %add3A_441, %select_n3A_462 : vector<16xf32>
          %mul3A_464 = arith.constant 16 : i32
          %mul3A_465 = arith.muli %scan3A_178, %mul3A_464 : i32
          %add3A_466 = arith.constant 13 : i32
          %add3A_467 = arith.addi %mul3A_465, %add3A_466 : i32
          %mul3A_468 = arith.constant 16 : i32
          %mul3A_469 = arith.muli %add3A_467, %mul3A_468 : i32
          %get3A_470 = arith.index_cast %scan3A_148 : i32 to index
          %get3A_471 = arith.index_cast %mul3A_469 : i32 to index
          %get3A_472 = tpu.vector_load %arg9[%get3A_470, %get3A_471] {strides = array<i32>} : memref<8x4096xf32, #tpu.memory_space<vmem>>, vector<1x16xf32>,
          %get3A_473 = vector.shape_cast %get3A_472 : vector<1x16xf32> to vector<16xf32>
          %mul3A_474 = arith.constant 16 : i32
          %mul3A_475 = arith.muli %add3A_467, %mul3A_474 : i32
          %add3A_476 = vector.broadcast %mul3A_475 : i32 to vector<16xi32>
          %add3A_477 = arith.addi %iota3A, %add3A_476 : vector<16xi32>
          %gt3A_478 = arith.cmpf ogt, %get3A_473, %gather3A_156 : vector<16xf32>
          %eq3A_479 = arith.cmpf oeq, %get3A_473, %gather3A_156 : vector<16xf32>
          %lt3A_480 = vector.broadcast %add3A_157 : i32 to vector<16xi32>
          %lt3A_481 = arith.cmpi slt, %add3A_477, %lt3A_480 : vector<16xi32>
          %and3A_482 = arith.andi %eq3A_479, %lt3A_481 : vector<16xi1>
          %or3A_483 = arith.ori %gt3A_478, %and3A_482 : vector<16xi1>
          %select_n3A_484 = arith.select %or3A_483, %broadcast_in_dim3A_5, %broadcast_in_dim3A_7 : vector<16xi1>, vector<16xf32>
          %add3A_485 = arith.addf %add3A_463, %select_n3A_484 : vector<16xf32>
          %mul3A_486 = arith.constant 16 : i32
          %mul3A_487 = arith.muli %scan3A_178, %mul3A_486 : i32
          %add3A_488 = arith.constant 14 : i32
          %add3A_489 = arith.addi %mul3A_487, %add3A_488 : i32
          %mul3A_490 = arith.constant 16 : i32
          %mul3A_491 = arith.muli %add3A_489, %mul3A_490 : i32
          %get3A_492 = arith.index_cast %scan3A_148 : i32 to index
          %get3A_493 = arith.index_cast %mul3A_491 : i32 to index
          %get3A_494 = tpu.vector_load %arg9[%get3A_492, %get3A_493] {strides = array<i32>} : memref<8x4096xf32, #tpu.memory_space<vmem>>, vector<1x16xf32>,
          %get3A_495 = vector.shape_cast %get3A_494 : vector<1x16xf32> to vector<16xf32>
          %mul3A_496 = arith.constant 16 : i32
          %mul3A_497 = arith.muli %add3A_489, %mul3A_496 : i32
          %add3A_498 = vector.broadcast %mul3A_497 : i32 to vector<16xi32>
          %add3A_499 = arith.addi %iota3A, %add3A_498 : vector<16xi32>
          %gt3A_500 = arith.cmpf ogt, %get3A_495, %gather3A_156 : vector<16xf32>
          %eq3A_501 = arith.cmpf oeq, %get3A_495, %gather3A_156 : vector<16xf32>
          %lt3A_502 = vector.broadcast %add3A_157 : i32 to vector<16xi32>
          %lt3A_503 = arith.cmpi slt, %add3A_499, %lt3A_502 : vector<16xi32>
          %and3A_504 = arith.andi %eq3A_501, %lt3A_503 : vector<16xi1>
          %or3A_505 = arith.ori %gt3A_500, %and3A_504 : vector<16xi1>
          %select_n3A_506 = arith.select %or3A_505, %broadcast_in_dim3A_5, %broadcast_in_dim3A_7 : vector<16xi1>, vector<16xf32>
          %add3A_507 = arith.addf %add3A_485, %select_n3A_506 : vector<16xf32>
          %mul3A_508 = arith.constant 16 : i32
          %mul3A_509 = arith.muli %scan3A_178, %mul3A_508 : i32
          %add3A_510 = arith.constant 15 : i32
          %add3A_511 = arith.addi %mul3A_509, %add3A_510 : i32
          %mul3A_512 = arith.constant 16 : i32
          %mul3A_513 = arith.muli %add3A_511, %mul3A_512 : i32
          %get3A_514 = arith.index_cast %scan3A_148 : i32 to index
          %get3A_515 = arith.index_cast %mul3A_513 : i32 to index
          %get3A_516 = tpu.vector_load %arg9[%get3A_514, %get3A_515] {strides = array<i32>} : memref<8x4096xf32, #tpu.memory_space<vmem>>, vector<1x16xf32>,
          %get3A_517 = vector.shape_cast %get3A_516 : vector<1x16xf32> to vector<16xf32>
          %mul3A_518 = arith.constant 16 : i32
          %mul3A_519 = arith.muli %add3A_511, %mul3A_518 : i32
          %add3A_520 = vector.broadcast %mul3A_519 : i32 to vector<16xi32>
          %add3A_521 = arith.addi %iota3A, %add3A_520 : vector<16xi32>
          %gt3A_522 = arith.cmpf ogt, %get3A_517, %gather3A_156 : vector<16xf32>
          %eq3A_523 = arith.cmpf oeq, %get3A_517, %gather3A_156 : vector<16xf32>
          %lt3A_524 = vector.broadcast %add3A_157 : i32 to vector<16xi32>
          %lt3A_525 = arith.cmpi slt, %add3A_521, %lt3A_524 : vector<16xi32>
          %and3A_526 = arith.andi %eq3A_523, %lt3A_525 : vector<16xi1>
          %or3A_527 = arith.ori %gt3A_522, %and3A_526 : vector<16xi1>
          %select_n3A_528 = arith.select %or3A_527, %broadcast_in_dim3A_5, %broadcast_in_dim3A_7 : vector<16xi1>, vector<16xf32>
          %add3A_529 = arith.addf %add3A_507, %select_n3A_528 : vector<16xf32>
          %get3A_530 = arith.constant 0 : index
          %get3A_531 = tpu.vector_load %arg11[%get3A_530] {strides = array<i32>} : memref<16xf32, #tpu.memory_space<vmem>>, vector<16xf32>,
          %get3A_532 = vector.shape_cast %get3A_531 : vector<16xf32> to vector<16xf32>
          %add3A_533 = arith.addf %get3A_532, %add3A_529 : vector<16xf32>
          %swap3A_534 = arith.constant 0 : index
          %swap3A_535 = tpu.vector_load %arg11[%swap3A_534] {strides = array<i32>} : memref<16xf32, #tpu.memory_space<vmem>>, vector<16xf32>,
          %swap3A_536 = vector.shape_cast %swap3A_535 : vector<16xf32> to vector<16xf32>
          %swap3A_537 = vector.shape_cast %add3A_533 : vector<16xf32> to vector<16xf32>
          tpu.vector_store %arg11[%swap3A_534], %swap3A_537 {strides = array<i32>} : memref<16xf32, #tpu.memory_space<vmem>>, vector<16xf32>,
          %scan3A_538 = arith.constant 0 : i32
          scf.yield %scan3A_538 : i32
        }
        %scan3A_167 = arith.constant 16 : i32
        %get3A_168 = arith.constant 0 : index
        %get3A_169 = tpu.vector_load %arg11[%get3A_168] {strides = array<i32>} : memref<16xf32, #tpu.memory_space<vmem>>, vector<16xf32>,
        %get3A_170 = vector.shape_cast %get3A_169 : vector<16xf32> to vector<16xf32>
        %mul3A_171 = arith.constant 16 : i32
        %mul3A_172 = arith.muli %add3A_152, %mul3A_171 : i32
        %swap3A_173 = arith.index_cast %mul3A_172 : i32 to index
        %swap3A_174 = tpu.vector_load %arg10[%swap3A_173] {strides = array<i32>} : memref<1024xf32, #tpu.memory_space<vmem>>, vector<16xf32>,
        %swap3A_175 = vector.shape_cast %swap3A_174 : vector<16xf32> to vector<16xf32>
        %swap3A_176 = vector.shape_cast %get3A_170 : vector<16xf32> to vector<16xf32>
        tpu.vector_store %arg10[%swap3A_173], %swap3A_176 {strides = array<i32>} : memref<1024xf32, #tpu.memory_space<vmem>>, vector<16xf32>,
        %scan3A_177 = arith.constant 0 : i32
        scf.yield %scan3A_177 : i32
      }
      %scan3A_146 = arith.constant 8 : i32
      %scan3A_147 = arith.constant 0 : i32
      scf.yield %scan3A_147 : i32
    }
    %scan3A_17 = arith.constant 4 : i32
    %mul3A_18 = arith.constant 16 : i32
    %mul3A_19 = arith.muli %mul3A_2, %mul3A_18 : i32
    "tpu.region"() ({
      %run_scoped3A = tpu.sem_alloc : memref<!tpu.dma_semaphore, #tpu.memory_space<semaphore_mem>>
      %dma_start3A_20 = tpu.memref_slice %arg5[%mul3A_19] : memref<32768xf32, #tpu.memory_space<hbm>> -> memref<1024xf32, #tpu.memory_space<hbm>>
      %dma_start3A_21 = tpu.memref_slice %arg5[%mul3A_19] : memref<32768xf32, #tpu.memory_space<hbm>> -> memref<1024xf32, #tpu.memory_space<hbm>>
      tpu.enqueue_dma source(%arg10 : memref<1024xf32, #tpu.memory_space<vmem>>) target(%dma_start3A_21 : memref<1024xf32, #tpu.memory_space<hbm>>) target_semaphore(%run_scoped3A : memref<!tpu.dma_semaphore, #tpu.memory_space<semaphore_mem>>)
      %dma_wait3A = tpu.memref_slice %arg5[%mul3A_19] : memref<32768xf32, #tpu.memory_space<hbm>> -> memref<1024xf32, #tpu.memory_space<hbm>>
      %dma_wait3A_22 = tpu.memref_slice %arg5[%mul3A_19] : memref<32768xf32, #tpu.memory_space<hbm>> -> memref<1024xf32, #tpu.memory_space<hbm>>
      tpu.wait_dma2 semaphore(%run_scoped3A : memref<!tpu.dma_semaphore, #tpu.memory_space<semaphore_mem>>) src(%arg10 : memref<1024xf32, #tpu.memory_space<vmem>>) dst(%dma_wait3A_22 : memref<1024xf32, #tpu.memory_space<hbm>>)
      tpu.yield
    }) : () -> ()
    return
  }
}

module attributes {stable_mosaic.version = 14 : i64} {
  func.func @_stage1_kernel(%arg0: i32, %arg1: memref<512x1024xf32, #tpu.memory_space<vmem>>, %arg2: memref<512x1xi32, #tpu.memory_space<vmem>>, %arg3: memref<512x1024xbf16, #tpu.memory_space<vmem>>, %arg4: memref<512x1024xbf16, #tpu.memory_space<vmem>>, %arg5: memref<1024x512xf32, #tpu.memory_space<vmem>>, %arg6: memref<512x1xf32, #tpu.memory_space<vmem>>, %arg7: memref<1x1024xf32, #tpu.memory_space<vmem>>) attributes {dimension_semantics = [#tpu.dimension_semantics<arbitrary>], iteration_bounds = array<i64: 8>, scalar_prefetch = 0 : i64, scratch_operands = 0 : i64, tpu.core_type = #tpu.core_type<tc>, window_params = [{transform_indices = @transform_0, window_bounds = array<i64: 512, 1024>}, {transform_indices = @transform_1, window_bounds = array<i64: 512, 1>}, {transform_indices = @transform_2, window_bounds = array<i64: 512, 1024>}, {transform_indices = @transform_3, window_bounds = array<i64: 512, 1024>}, {transform_indices = @transform_4, window_bounds = array<i64: 1024, 512>}, {transform_indices = @transform_5, window_bounds = array<i64: 512, 1>}, {pipeline_mode = #tpu.pipeline_mode<synchronous>, transform_indices = @transform_6, window_bounds = array<i64: 1, 1024>}]} {
    %get3A = arith.constant 0 : index
    %get3A_0 = arith.constant 0 : index
    %get3A_1 = vector.load %arg1[%get3A, %get3A_0] : memref<512x1024xf32, #tpu.memory_space<vmem>>, vector<512x1024xf32>
    %reduce_max3A = arith.constant dense<0xFF800000> : vector<512xf32>
    %reduce_max3A_2 = vector.multi_reduction <maximumf>, %get3A_1, %reduce_max3A [1] : vector<512x1024xf32> to vector<512xf32>
    %broadcast_in_dim3A = vector.shape_cast %reduce_max3A_2 : vector<512xf32> to vector<512x1xf32>
    %sub3A = vector.broadcast %broadcast_in_dim3A : vector<512x1xf32> to vector<512x1024xf32>
    %sub3A_3 = arith.subf %get3A_1, %sub3A : vector<512x1024xf32>
    %exp3A = math.exp %sub3A_3 : vector<512x1024xf32>
    %reduce_sum3A = arith.constant dense<0.000000e+00> : vector<512xf32>
    %reduce_sum3A_4 = vector.multi_reduction <add>, %exp3A, %reduce_sum3A [1] : vector<512x1024xf32> to vector<512xf32>
    %broadcast_in_dim3A_5 = vector.shape_cast %reduce_sum3A_4 : vector<512xf32> to vector<512x1xf32>
    %div3A = vector.broadcast %broadcast_in_dim3A_5 : vector<512x1xf32> to vector<512x1024xf32>
    %div3A_6 = arith.divf %exp3A, %div3A : vector<512x1024xf32>
    %convert_element_type3A = arith.truncf %div3A_6 : vector<512x1024xf32> to vector<512x1024xbf16>
    %convert_element_type3A_7 = arith.extf %convert_element_type3A : vector<512x1024xbf16> to vector<512x1024xf32>
    %sub3A_8 = arith.subf %div3A_6, %convert_element_type3A_7 : vector<512x1024xf32>
    %swap3A = arith.constant 0 : index
    %swap3A_9 = arith.constant 0 : index
    %swap3A_10 = vector.load %arg3[%swap3A, %swap3A_9] : memref<512x1024xbf16, #tpu.memory_space<vmem>>, vector<512x1024xbf16>
    tpu.vector_store %arg3[%swap3A, %swap3A_9], %convert_element_type3A {strides = array<i32>} : memref<512x1024xbf16, #tpu.memory_space<vmem>>, vector<512x1024xbf16>,
    %convert_element_type3A_11 = arith.truncf %sub3A_8 : vector<512x1024xf32> to vector<512x1024xbf16>
    %swap3A_12 = arith.constant 0 : index
    %swap3A_13 = arith.constant 0 : index
    %swap3A_14 = vector.load %arg4[%swap3A_12, %swap3A_13] : memref<512x1024xbf16, #tpu.memory_space<vmem>>, vector<512x1024xbf16>
    tpu.vector_store %arg4[%swap3A_12, %swap3A_13], %convert_element_type3A_11 {strides = array<i32>} : memref<512x1024xbf16, #tpu.memory_space<vmem>>, vector<512x1024xbf16>,
    %transpose3A = tpu.transpose %div3A_6, [1, 0] : vector<512x1024xf32> -> vector<1024x512xf32>
    %swap3A_15 = arith.constant 0 : index
    %swap3A_16 = arith.constant 0 : index
    %swap3A_17 = vector.load %arg5[%swap3A_15, %swap3A_16] : memref<1024x512xf32, #tpu.memory_space<vmem>>, vector<1024x512xf32>
    tpu.vector_store %arg5[%swap3A_15, %swap3A_16], %transpose3A {strides = array<i32>} : memref<1024x512xf32, #tpu.memory_space<vmem>>, vector<1024x512xf32>,
    %iota3A = tpu.iota {dimensions = array<i32: 1>} : vector<512x1024xi32>
    %get3A_18 = arith.constant 0 : index
    %get3A_19 = arith.constant 0 : index
    %get3A_20 = vector.load %arg2[%get3A_18, %get3A_19] : memref<512x1xi32, #tpu.memory_space<vmem>>, vector<512x1xi32>
    %eq3A = vector.broadcast %get3A_20 : vector<512x1xi32> to vector<512x1024xi32>
    %eq3A_21 = arith.cmpi eq, %iota3A, %eq3A : vector<512x1024xi32>
    %convert_element_type3A_22 = arith.extui %eq3A_21 : vector<512x1024xi1> to vector<512x1024xi32>
    %convert_element_type3A_23 = arith.sitofp %convert_element_type3A_22 : vector<512x1024xi32> to vector<512x1024xf32>
    %mul3A = arith.mulf %div3A_6, %convert_element_type3A_23 : vector<512x1024xf32>
    %reduce_sum3A_24 = arith.constant dense<0.000000e+00> : vector<512xf32>
    %reduce_sum3A_25 = vector.multi_reduction <add>, %mul3A, %reduce_sum3A_24 [1] : vector<512x1024xf32> to vector<512xf32>
    %broadcast_in_dim3A_26 = vector.shape_cast %reduce_sum3A_25 : vector<512xf32> to vector<512x1xf32>
    %swap3A_27 = arith.constant 0 : index
    %swap3A_28 = arith.constant 0 : index
    %swap3A_29 = vector.load %arg6[%swap3A_27, %swap3A_28] : memref<512x1xf32, #tpu.memory_space<vmem>>, vector<512x1xf32>
    tpu.vector_store %arg6[%swap3A_27, %swap3A_28], %broadcast_in_dim3A_26 {strides = array<i32>} : memref<512x1xf32, #tpu.memory_space<vmem>>, vector<512x1xf32>,
    %reduce_sum3A_30 = arith.constant dense<0.000000e+00> : vector<1024xf32>
    %reduce_sum3A_31 = vector.multi_reduction <add>, %convert_element_type3A_23, %reduce_sum3A_30 [0] : vector<512x1024xf32> to vector<1024xf32>
    %broadcast_in_dim3A_32 = vector.shape_cast %reduce_sum3A_31 : vector<1024xf32> to vector<1x1024xf32>
    %eq3A_33 = arith.constant 0 : i32
    %eq3A_34 = arith.cmpi eq, %arg0, %eq3A_33 : i32
    %convert_element_type3A_35 = arith.extui %eq3A_34 : i1 to i32
    %cond3A = arith.constant 0 : i32
    %cond3A_36 = arith.cmpi ne, %convert_element_type3A_35, %cond3A : i32
    scf.if %cond3A_36 {
      %swap3A_41 = arith.constant 0 : index
      %swap3A_42 = arith.constant 0 : index
      %swap3A_43 = vector.load %arg7[%swap3A_41, %swap3A_42] : memref<1x1024xf32, #tpu.memory_space<vmem>>, vector<1x1024xf32>
      tpu.vector_store %arg7[%swap3A_41, %swap3A_42], %broadcast_in_dim3A_32 {strides = array<i32>} : memref<1x1024xf32, #tpu.memory_space<vmem>>, vector<1x1024xf32>,
    } else {
    }
    %ne3A = arith.constant 0 : i32
    %ne3A_37 = arith.cmpi ne, %arg0, %ne3A : i32
    %convert_element_type3A_38 = arith.extui %ne3A_37 : i1 to i32
    %cond3A_39 = arith.constant 0 : i32
    %cond3A_40 = arith.cmpi ne, %convert_element_type3A_38, %cond3A_39 : i32
    scf.if %cond3A_40 {
      %get3A_41 = arith.constant 0 : index
      %get3A_42 = arith.constant 0 : index
      %get3A_43 = vector.load %arg7[%get3A_41, %get3A_42] : memref<1x1024xf32, #tpu.memory_space<vmem>>, vector<1x1024xf32>
      %add3A = arith.addf %get3A_43, %broadcast_in_dim3A_32 : vector<1x1024xf32>
      %swap3A_44 = arith.constant 0 : index
      %swap3A_45 = arith.constant 0 : index
      %swap3A_46 = vector.load %arg7[%swap3A_44, %swap3A_45] : memref<1x1024xf32, #tpu.memory_space<vmem>>, vector<1x1024xf32>
      tpu.vector_store %arg7[%swap3A_44, %swap3A_45], %add3A {strides = array<i32>} : memref<1x1024xf32, #tpu.memory_space<vmem>>, vector<1x1024xf32>,
    } else {
    }
    return
  }
  func.func @transform_0(%arg0: i32) -> (i32, i32) {
    %c0_i32 = arith.constant 0 : i32
    %c0_i32_0 = arith.constant 0 : i32
    return %arg0, %c0_i32 : i32, i32
  }
  func.func @transform_1(%arg0: i32) -> (i32, i32) {
    %c0_i32 = arith.constant 0 : i32
    %c0_i32_0 = arith.constant 0 : i32
    return %arg0, %c0_i32 : i32, i32
  }
  func.func @transform_2(%arg0: i32) -> (i32, i32) {
    %c0_i32 = arith.constant 0 : i32
    %c0_i32_0 = arith.constant 0 : i32
    return %arg0, %c0_i32 : i32, i32
  }
  func.func @transform_3(%arg0: i32) -> (i32, i32) {
    %c0_i32 = arith.constant 0 : i32
    %c0_i32_0 = arith.constant 0 : i32
    return %arg0, %c0_i32 : i32, i32
  }
  func.func @transform_4(%arg0: i32) -> (i32, i32) {
    %c0_i32 = arith.constant 0 : i32
    %c0_i32_0 = arith.constant 0 : i32
    return %c0_i32, %arg0 : i32, i32
  }
  func.func @transform_5(%arg0: i32) -> (i32, i32) {
    %c0_i32 = arith.constant 0 : i32
    %c0_i32_0 = arith.constant 0 : i32
    return %arg0, %c0_i32 : i32, i32
  }
  func.func @transform_6(%arg0: i32) -> (i32, i32) {
    %c0_i32 = arith.constant 0 : i32
    %c0_i32_0 = arith.constant 0 : i32
    %c0_i32_1 = arith.constant 0 : i32
    return %c0_i32, %c0_i32_0 : i32, i32
  }
}

module attributes {stable_mosaic.version = 14 : i64} {
  func.func @_tc_count_kernel(%arg0: i32, %arg1: i32, %arg2: memref<1024x1024xbf16, #tpu.memory_space<vmem>>, %arg3: memref<1024x1024xbf16, #tpu.memory_space<vmem>>, %arg4: memref<1024x1xi32, #tpu.memory_space<vmem>>, %arg5: memref<1x1024xf32, #tpu.memory_space<vmem>>, %arg6: memref<1024x1xf32, #tpu.memory_space<vmem>>, %arg7: memref<1x2048xf32, #tpu.memory_space<vmem>>, %arg8: memref<2048x1024xbf16, #tpu.memory_space<vmem>>) attributes {dimension_semantics = [#tpu.dimension_semantics<arbitrary>, #tpu.dimension_semantics<arbitrary>], iteration_bounds = array<i64: 4, 2>, scalar_prefetch = 0 : i64, scratch_operands = 2 : i64, tpu.core_type = #tpu.core_type<tc>, window_params = [{transform_indices = @transform_0, window_bounds = array<i64: 1024, 1024>}, {transform_indices = @transform_1, window_bounds = array<i64: 1024, 1024>}, {transform_indices = @transform_2, window_bounds = array<i64: 1024, 1>}, {transform_indices = @transform_3, window_bounds = array<i64: 1, 1024>}, {transform_indices = @transform_4, window_bounds = array<i64: 1024, 1>}]} {
    %add3A = arith.constant 2 : i32
    %add3A_0 = arith.addi %arg1, %add3A : i32
    %mul3A = arith.constant 1024 : i32
    %mul3A_1 = arith.muli %arg1, %mul3A : i32
    %eq3A = arith.constant 0 : i32
    %eq3A_2 = arith.cmpi eq, %arg0, %eq3A : i32
    %convert_element_type3A = arith.extui %eq3A_2 : i1 to i32
    %cond3A = arith.constant 0 : i32
    %cond3A_3 = arith.cmpi ne, %convert_element_type3A, %cond3A : i32
    scf.if %cond3A_3 {
      %iota3A = tpu.iota {dimensions = array<i32: 1>} : vector<1024x1024xi32>
      %get3A_34 = arith.constant 0 : index
      %get3A_35 = arith.constant 0 : index
      %get3A_36 = vector.load %arg4[%get3A_34, %get3A_35] : memref<1024x1xi32, #tpu.memory_space<vmem>>, vector<1024x1xi32>
      %eq3A_37 = vector.broadcast %get3A_36 : vector<1024x1xi32> to vector<1024x1024xi32>
      %eq3A_38 = arith.cmpi eq, %iota3A, %eq3A_37 : vector<1024x1024xi32>
      %convert_element_type3A_39 = arith.extui %eq3A_38 : vector<1024x1024xi1> to vector<1024x1024xi32>
      %convert_element_type3A_40 = arith.sitofp %convert_element_type3A_39 : vector<1024x1024xi32> to vector<1024x1024xf32>
      %convert_element_type3A_41 = arith.truncf %convert_element_type3A_40 : vector<1024x1024xf32> to vector<1024x1024xbf16>
      %swap3A = arith.index_cast %mul3A_1 : i32 to index
      %swap3A_42 = arith.constant 0 : index
      %swap3A_43 = vector.load %arg8[%swap3A, %swap3A_42] : memref<2048x1024xbf16, #tpu.memory_space<vmem>>, vector<1024x1024xbf16>
      tpu.vector_store %arg8[%swap3A, %swap3A_42], %convert_element_type3A_41 {strides = array<i32>} : memref<2048x1024xbf16, #tpu.memory_space<vmem>>, vector<1024x1024xbf16>,
    } else {
    }
    %get3A = arith.index_cast %mul3A_1 : i32 to index
    %get3A_4 = arith.constant 0 : index
    %get3A_5 = vector.load %arg8[%get3A, %get3A_4] : memref<2048x1024xbf16, #tpu.memory_space<vmem>>, vector<1024x1024xbf16>
    %get3A_6 = arith.constant 0 : index
    %get3A_7 = arith.constant 0 : index
    %get3A_8 = vector.load %arg2[%get3A_6, %get3A_7] : memref<1024x1024xbf16, #tpu.memory_space<vmem>>, vector<1024x1024xbf16>
    %dot_general3A = arith.constant dense<0.000000e+00> : vector<1024x1024xf32>
    %dot_general3A_9 = tpu.matmul %get3A_8, %get3A_5, %dot_general3A {dimension_numbers = #tpu.dot_dimension_numbers<[1], [1], [0], [0], [0, 0, 1, 0], [], []>, transpose_lhs_hint = false} : vector<1024x1024xbf16>, vector<1024x1024xbf16>, vector<1024x1024xf32> -> vector<1024x1024xf32>
    %get3A_10 = arith.constant 0 : index
    %get3A_11 = arith.constant 0 : index
    %get3A_12 = vector.load %arg3[%get3A_10, %get3A_11] : memref<1024x1024xbf16, #tpu.memory_space<vmem>>, vector<1024x1024xbf16>
    %dot_general3A_13 = arith.constant dense<0.000000e+00> : vector<1024x1024xf32>
    %dot_general3A_14 = tpu.matmul %get3A_12, %get3A_5, %dot_general3A_13 {dimension_numbers = #tpu.dot_dimension_numbers<[1], [1], [0], [0], [0, 0, 1, 0], [], []>, transpose_lhs_hint = false} : vector<1024x1024xbf16>, vector<1024x1024xbf16>, vector<1024x1024xf32> -> vector<1024x1024xf32>
    %add3A_15 = arith.addf %dot_general3A_9, %dot_general3A_14 : vector<1024x1024xf32>
    %get3A_16 = arith.constant 0 : index
    %get3A_17 = arith.constant 0 : index
    %get3A_18 = vector.load %arg5[%get3A_16, %get3A_17] : memref<1x1024xf32, #tpu.memory_space<vmem>>, vector<1x1024xf32>
    %lt3A = arith.cmpi slt, %arg0, %add3A_0 : i32
    %convert_element_type3A_19 = arith.extui %lt3A : i1 to i32
    %cond3A_20 = arith.constant 0 : i32
    %cond3A_21 = arith.cmpi ne, %convert_element_type3A_19, %cond3A_20 : i32
    scf.if %cond3A_21 {
      %ge3A = vector.broadcast %get3A_18 : vector<1x1024xf32> to vector<1024x1024xf32>
      %ge3A_34 = arith.cmpf oge, %add3A_15, %ge3A : vector<1024x1024xf32>
      %convert_element_type3A_35 = arith.extui %ge3A_34 : vector<1024x1024xi1> to vector<1024x1024xi32>
      %convert_element_type3A_36 = arith.sitofp %convert_element_type3A_35 : vector<1024x1024xi32> to vector<1024x1024xf32>
      %reduce_sum3A = arith.constant dense<0.000000e+00> : vector<1024xf32>
      %reduce_sum3A_37 = vector.multi_reduction <add>, %convert_element_type3A_36, %reduce_sum3A [0] : vector<1024x1024xf32> to vector<1024xf32>
      %broadcast_in_dim3A = vector.shape_cast %reduce_sum3A_37 : vector<1024xf32> to vector<1x1024xf32>
      %eq3A_38 = arith.constant 0 : i32
      %eq3A_39 = arith.cmpi eq, %arg0, %eq3A_38 : i32
      %convert_element_type3A_40 = arith.extui %eq3A_39 : i1 to i32
      %cond3A_41 = arith.constant 0 : i32
      %cond3A_42 = arith.cmpi ne, %convert_element_type3A_40, %cond3A_41 : i32
      scf.if %cond3A_42 {
        %swap3A = arith.constant 0 : index
        %swap3A_47 = arith.index_cast %mul3A_1 : i32 to index
        %swap3A_48 = vector.load %arg7[%swap3A, %swap3A_47] : memref<1x2048xf32, #tpu.memory_space<vmem>>, vector<1x1024xf32>
        tpu.vector_store %arg7[%swap3A, %swap3A_47], %broadcast_in_dim3A {strides = array<i32>} : memref<1x2048xf32, #tpu.memory_space<vmem>>, vector<1x1024xf32>,
      } else {
      }
      %ne3A = arith.constant 0 : i32
      %ne3A_43 = arith.cmpi ne, %arg0, %ne3A : i32
      %convert_element_type3A_44 = arith.extui %ne3A_43 : i1 to i32
      %cond3A_45 = arith.constant 0 : i32
      %cond3A_46 = arith.cmpi ne, %convert_element_type3A_44, %cond3A_45 : i32
      scf.if %cond3A_46 {
        %get3A_47 = arith.constant 0 : index
        %get3A_48 = arith.index_cast %mul3A_1 : i32 to index
        %get3A_49 = vector.load %arg7[%get3A_47, %get3A_48] : memref<1x2048xf32, #tpu.memory_space<vmem>>, vector<1x1024xf32>
        %add3A_50 = arith.addf %get3A_49, %broadcast_in_dim3A : vector<1x1024xf32>
        %swap3A = arith.constant 0 : index
        %swap3A_51 = arith.index_cast %mul3A_1 : i32 to index
        %swap3A_52 = vector.load %arg7[%swap3A, %swap3A_51] : memref<1x2048xf32, #tpu.memory_space<vmem>>, vector<1x1024xf32>
        tpu.vector_store %arg7[%swap3A, %swap3A_51], %add3A_50 {strides = array<i32>} : memref<1x2048xf32, #tpu.memory_space<vmem>>, vector<1x1024xf32>,
      } else {
      }
    } else {
    }
    %gt3A = arith.cmpi sgt, %arg0, %add3A_0 : i32
    %convert_element_type3A_22 = arith.extui %gt3A : i1 to i32
    %cond3A_23 = arith.constant 0 : i32
    %cond3A_24 = arith.cmpi ne, %convert_element_type3A_22, %cond3A_23 : i32
    scf.if %cond3A_24 {
      %gt3A_34 = vector.broadcast %get3A_18 : vector<1x1024xf32> to vector<1024x1024xf32>
      %gt3A_35 = arith.cmpf ogt, %add3A_15, %gt3A_34 : vector<1024x1024xf32>
      %convert_element_type3A_36 = arith.extui %gt3A_35 : vector<1024x1024xi1> to vector<1024x1024xi32>
      %convert_element_type3A_37 = arith.sitofp %convert_element_type3A_36 : vector<1024x1024xi32> to vector<1024x1024xf32>
      %reduce_sum3A = arith.constant dense<0.000000e+00> : vector<1024xf32>
      %reduce_sum3A_38 = vector.multi_reduction <add>, %convert_element_type3A_37, %reduce_sum3A [0] : vector<1024x1024xf32> to vector<1024xf32>
      %broadcast_in_dim3A = vector.shape_cast %reduce_sum3A_38 : vector<1024xf32> to vector<1x1024xf32>
      %eq3A_39 = arith.constant 0 : i32
      %eq3A_40 = arith.cmpi eq, %arg0, %eq3A_39 : i32
      %convert_element_type3A_41 = arith.extui %eq3A_40 : i1 to i32
      %cond3A_42 = arith.constant 0 : i32
      %cond3A_43 = arith.cmpi ne, %convert_element_type3A_41, %cond3A_42 : i32
      scf.if %cond3A_43 {
        %swap3A = arith.constant 0 : index
        %swap3A_48 = arith.index_cast %mul3A_1 : i32 to index
        %swap3A_49 = vector.load %arg7[%swap3A, %swap3A_48] : memref<1x2048xf32, #tpu.memory_space<vmem>>, vector<1x1024xf32>
        tpu.vector_store %arg7[%swap3A, %swap3A_48], %broadcast_in_dim3A {strides = array<i32>} : memref<1x2048xf32, #tpu.memory_space<vmem>>, vector<1x1024xf32>,
      } else {
      }
      %ne3A = arith.constant 0 : i32
      %ne3A_44 = arith.cmpi ne, %arg0, %ne3A : i32
      %convert_element_type3A_45 = arith.extui %ne3A_44 : i1 to i32
      %cond3A_46 = arith.constant 0 : i32
      %cond3A_47 = arith.cmpi ne, %convert_element_type3A_45, %cond3A_46 : i32
      scf.if %cond3A_47 {
        %get3A_48 = arith.constant 0 : index
        %get3A_49 = arith.index_cast %mul3A_1 : i32 to index
        %get3A_50 = vector.load %arg7[%get3A_48, %get3A_49] : memref<1x2048xf32, #tpu.memory_space<vmem>>, vector<1x1024xf32>
        %add3A_51 = arith.addf %get3A_50, %broadcast_in_dim3A : vector<1x1024xf32>
        %swap3A = arith.constant 0 : index
        %swap3A_52 = arith.index_cast %mul3A_1 : i32 to index
        %swap3A_53 = vector.load %arg7[%swap3A, %swap3A_52] : memref<1x2048xf32, #tpu.memory_space<vmem>>, vector<1x1024xf32>
        tpu.vector_store %arg7[%swap3A, %swap3A_52], %add3A_51 {strides = array<i32>} : memref<1x2048xf32, #tpu.memory_space<vmem>>, vector<1x1024xf32>,
      } else {
      }
    } else {
    }
    %eq3A_25 = arith.cmpi eq, %arg0, %add3A_0 : i32
    %convert_element_type3A_26 = arith.extui %eq3A_25 : i1 to i32
    %cond3A_27 = arith.constant 0 : i32
    %cond3A_28 = arith.cmpi ne, %convert_element_type3A_26, %cond3A_27 : i32
    scf.if %cond3A_28 {
      %iota3A = tpu.iota {dimensions = array<i32: 0>} : vector<1024x1024xi32>
      %iota3A_34 = tpu.iota {dimensions = array<i32: 1>} : vector<1024x1024xi32>
      %gt3A_35 = vector.broadcast %get3A_18 : vector<1x1024xf32> to vector<1024x1024xf32>
      %gt3A_36 = arith.cmpf ogt, %add3A_15, %gt3A_35 : vector<1024x1024xf32>
      %eq3A_37 = vector.broadcast %get3A_18 : vector<1x1024xf32> to vector<1024x1024xf32>
      %eq3A_38 = arith.cmpf oeq, %add3A_15, %eq3A_37 : vector<1024x1024xf32>
      %lt3A_39 = arith.cmpi slt, %iota3A, %iota3A_34 : vector<1024x1024xi32>
      %and3A = arith.andi %eq3A_38, %lt3A_39 : vector<1024x1024xi1>
      %or3A = arith.ori %gt3A_36, %and3A : vector<1024x1024xi1>
      %ne3A = arith.cmpi ne, %iota3A, %iota3A_34 : vector<1024x1024xi32>
      %and3A_40 = arith.andi %or3A, %ne3A : vector<1024x1024xi1>
      %convert_element_type3A_41 = arith.extui %and3A_40 : vector<1024x1024xi1> to vector<1024x1024xi32>
      %convert_element_type3A_42 = arith.sitofp %convert_element_type3A_41 : vector<1024x1024xi32> to vector<1024x1024xf32>
      %reduce_sum3A = arith.constant dense<0.000000e+00> : vector<1024xf32>
      %reduce_sum3A_43 = vector.multi_reduction <add>, %convert_element_type3A_42, %reduce_sum3A [0] : vector<1024x1024xf32> to vector<1024xf32>
      %broadcast_in_dim3A = vector.shape_cast %reduce_sum3A_43 : vector<1024xf32> to vector<1x1024xf32>
      %eq3A_44 = arith.constant 0 : i32
      %eq3A_45 = arith.cmpi eq, %arg0, %eq3A_44 : i32
      %convert_element_type3A_46 = arith.extui %eq3A_45 : i1 to i32
      %cond3A_47 = arith.constant 0 : i32
      %cond3A_48 = arith.cmpi ne, %convert_element_type3A_46, %cond3A_47 : i32
      scf.if %cond3A_48 {
        %swap3A = arith.constant 0 : index
        %swap3A_54 = arith.index_cast %mul3A_1 : i32 to index
        %swap3A_55 = vector.load %arg7[%swap3A, %swap3A_54] : memref<1x2048xf32, #tpu.memory_space<vmem>>, vector<1x1024xf32>
        tpu.vector_store %arg7[%swap3A, %swap3A_54], %broadcast_in_dim3A {strides = array<i32>} : memref<1x2048xf32, #tpu.memory_space<vmem>>, vector<1x1024xf32>,
      } else {
      }
      %ne3A_49 = arith.constant 0 : i32
      %ne3A_50 = arith.cmpi ne, %arg0, %ne3A_49 : i32
      %convert_element_type3A_51 = arith.extui %ne3A_50 : i1 to i32
      %cond3A_52 = arith.constant 0 : i32
      %cond3A_53 = arith.cmpi ne, %convert_element_type3A_51, %cond3A_52 : i32
      scf.if %cond3A_53 {
        %get3A_54 = arith.constant 0 : index
        %get3A_55 = arith.index_cast %mul3A_1 : i32 to index
        %get3A_56 = vector.load %arg7[%get3A_54, %get3A_55] : memref<1x2048xf32, #tpu.memory_space<vmem>>, vector<1x1024xf32>
        %add3A_57 = arith.addf %get3A_56, %broadcast_in_dim3A : vector<1x1024xf32>
        %swap3A = arith.constant 0 : index
        %swap3A_58 = arith.index_cast %mul3A_1 : i32 to index
        %swap3A_59 = vector.load %arg7[%swap3A, %swap3A_58] : memref<1x2048xf32, #tpu.memory_space<vmem>>, vector<1x1024xf32>
        tpu.vector_store %arg7[%swap3A, %swap3A_58], %add3A_57 {strides = array<i32>} : memref<1x2048xf32, #tpu.memory_space<vmem>>, vector<1x1024xf32>,
      } else {
      }
    } else {
    }
    %eq3A_29 = arith.constant 3 : i32
    %eq3A_30 = arith.cmpi eq, %arg0, %eq3A_29 : i32
    %convert_element_type3A_31 = arith.extui %eq3A_30 : i1 to i32
    %cond3A_32 = arith.constant 0 : i32
    %cond3A_33 = arith.cmpi ne, %convert_element_type3A_31, %cond3A_32 : i32
    scf.if %cond3A_33 {
      %get3A_34 = arith.constant 0 : index
      %get3A_35 = arith.index_cast %mul3A_1 : i32 to index
      %get3A_36 = vector.load %arg7[%get3A_34, %get3A_35] : memref<1x2048xf32, #tpu.memory_space<vmem>>, vector<1x1024xf32>
      %transpose3A = tpu.transpose %get3A_36, [1, 0] : vector<1x1024xf32> -> vector<1024x1xf32>
      %swap3A = arith.constant 0 : index
      %swap3A_37 = arith.constant 0 : index
      %swap3A_38 = vector.load %arg6[%swap3A, %swap3A_37] : memref<1024x1xf32, #tpu.memory_space<vmem>>, vector<1024x1xf32>
      tpu.vector_store %arg6[%swap3A, %swap3A_37], %transpose3A {strides = array<i32>} : memref<1024x1xf32, #tpu.memory_space<vmem>>, vector<1024x1xf32>,
    } else {
    }
    return
  }
  func.func @transform_0(%arg0: i32, %arg1: i32) -> (i32, i32) {
    %c0_i32 = arith.constant 0 : i32
    %c0_i32_0 = arith.constant 0 : i32
    return %arg0, %c0_i32 : i32, i32
  }
  func.func @transform_1(%arg0: i32, %arg1: i32) -> (i32, i32) {
    %c0_i32 = arith.constant 0 : i32
    %c0_i32_0 = arith.constant 0 : i32
    return %arg0, %c0_i32 : i32, i32
  }
  func.func @transform_2(%arg0: i32, %arg1: i32) -> (i32, i32) {
    %add3A = arith.constant 2 : i32
    %add3A_0 = arith.addi %arg1, %add3A : i32
    %c0_i32 = arith.constant 0 : i32
    %c0_i32_1 = arith.constant 0 : i32
    return %add3A_0, %c0_i32 : i32, i32
  }
  func.func @transform_3(%arg0: i32, %arg1: i32) -> (i32, i32) {
    %add3A = arith.constant 2 : i32
    %add3A_0 = arith.addi %arg1, %add3A : i32
    %c0_i32 = arith.constant 0 : i32
    %c0_i32_1 = arith.constant 0 : i32
    return %c0_i32, %add3A_0 : i32, i32
  }
  func.func @transform_4(%arg0: i32, %arg1: i32) -> (i32, i32) {
    %add3A = arith.constant 2 : i32
    %add3A_0 = arith.addi %arg1, %add3A : i32
    %c0_i32 = arith.constant 0 : i32
    %c0_i32_1 = arith.constant 0 : i32
    return %add3A_0, %c0_i32 : i32, i32
  }
}

module attributes {stable_mosaic.version = 14 : i64} {
  func.func @_final_kernel(%arg0: i32, %arg1: memref<512x16xf32, #tpu.memory_space<vmem>>, %arg2: memref<512x1xf32, #tpu.memory_space<vmem>>, %arg3: memref<512x1xi32, #tpu.memory_space<vmem>>, %arg4: memref<512x1xf32, #tpu.memory_space<vmem>>, %arg5: memref<1x4096xf32, #tpu.memory_space<vmem>>, %arg6: memref<1x4096xi32, #tpu.memory_space<vmem>>, %arg7: memref<1x1024xf32, #tpu.memory_space<vmem>>, %arg8: memref<1x1xf32, #tpu.memory_space<vmem>>) attributes {dimension_semantics = [#tpu.dimension_semantics<arbitrary>], iteration_bounds = array<i64: 8>, scalar_prefetch = 0 : i64, scratch_operands = 0 : i64, tpu.core_type = #tpu.core_type<tc>, window_params = [{transform_indices = @transform_0, window_bounds = array<i64: 512, 16>}, {transform_indices = @transform_1, window_bounds = array<i64: 512, 1>}, {transform_indices = @transform_2, window_bounds = array<i64: 512, 1>}, {transform_indices = @transform_3, window_bounds = array<i64: 512, 1>}, {pipeline_mode = #tpu.pipeline_mode<synchronous>, transform_indices = @transform_4, window_bounds = array<i64: 1, 4096>}, {pipeline_mode = #tpu.pipeline_mode<synchronous>, transform_indices = @transform_5, window_bounds = array<i64: 1, 4096>}, {pipeline_mode = #tpu.pipeline_mode<synchronous>, transform_indices = @transform_6, window_bounds = array<i64: 1, 1024>}, {pipeline_mode = #tpu.pipeline_mode<synchronous>, transform_indices = @transform_7, window_bounds = array<i64: 1, 1>}]} {
    %mul3A = arith.constant 512 : i32
    %mul3A_0 = arith.muli %arg0, %mul3A : i32
    %get3A = arith.constant 0 : index
    %get3A_1 = arith.constant 0 : index
    %get3A_2 = vector.load %arg1[%get3A, %get3A_1] : memref<512x16xf32, #tpu.memory_space<vmem>>, vector<512x16xf32>
    %reduce_sum3A = arith.constant dense<0.000000e+00> : vector<512xf32>
    %reduce_sum3A_3 = vector.multi_reduction <add>, %get3A_2, %reduce_sum3A [1] : vector<512x16xf32> to vector<512xf32>
    %broadcast_in_dim3A = vector.shape_cast %reduce_sum3A_3 : vector<512xf32> to vector<512x1xf32>
    %lt3A = arith.constant 4 : i32
    %lt3A_4 = arith.cmpi slt, %arg0, %lt3A : i32
    %get3A_5 = arith.constant 0 : index
    %get3A_6 = arith.constant 0 : index
    %get3A_7 = vector.load %arg2[%get3A_5, %get3A_6] : memref<512x1xf32, #tpu.memory_space<vmem>>, vector<512x1xf32>
    %select_n3A = arith.select %lt3A_4, %broadcast_in_dim3A, %get3A_7 : vector<512x1xf32>
    %get3A_8 = arith.constant 0 : index
    %get3A_9 = arith.constant 0 : index
    %get3A_10 = vector.load %arg4[%get3A_8, %get3A_9] : memref<512x1xf32, #tpu.memory_space<vmem>>, vector<512x1xf32>
    %get3A_11 = arith.constant 0 : index
    %get3A_12 = arith.constant 0 : index
    %get3A_13 = vector.load %arg3[%get3A_11, %get3A_12] : memref<512x1xi32, #tpu.memory_space<vmem>>, vector<512x1xi32>
    %get3A_14 = arith.constant 0 : index
    %get3A_15 = arith.constant 0 : index
    %get3A_16 = vector.load %arg5[%get3A_14, %get3A_15] : memref<1x4096xf32, #tpu.memory_space<vmem>>, vector<1x4096xf32>
    %get3A_17 = arith.constant 0 : index
    %get3A_18 = arith.constant 0 : index
    %get3A_19 = vector.load %arg6[%get3A_17, %get3A_18] : memref<1x4096xi32, #tpu.memory_space<vmem>>, vector<1x4096xi32>
    %eq3A = vector.broadcast %get3A_13 : vector<512x1xi32> to vector<512x4096xi32>
    %eq3A_20 = vector.broadcast %get3A_19 : vector<1x4096xi32> to vector<512x4096xi32>
    %eq3A_21 = arith.cmpi eq, %eq3A, %eq3A_20 : vector<512x4096xi32>
    %iota3A = tpu.iota {dimensions = array<i32: 1>} : vector<512x4096xi32>
    %iota3A_22 = tpu.iota {dimensions = array<i32: 0>} : vector<512x4096xi32>
    %add3A = vector.broadcast %mul3A_0 : i32 to vector<512x4096xi32>
    %add3A_23 = arith.addi %add3A, %iota3A_22 : vector<512x4096xi32>
    %lt3A_24 = arith.cmpi slt, %iota3A, %add3A_23 : vector<512x4096xi32>
    %gt3A = vector.broadcast %get3A_16 : vector<1x4096xf32> to vector<512x4096xf32>
    %gt3A_25 = vector.broadcast %get3A_10 : vector<512x1xf32> to vector<512x4096xf32>
    %gt3A_26 = arith.cmpf ogt, %gt3A, %gt3A_25 : vector<512x4096xf32>
    %eq3A_27 = vector.broadcast %get3A_16 : vector<1x4096xf32> to vector<512x4096xf32>
    %eq3A_28 = vector.broadcast %get3A_10 : vector<512x1xf32> to vector<512x4096xf32>
    %eq3A_29 = arith.cmpf oeq, %eq3A_27, %eq3A_28 : vector<512x4096xf32>
    %and3A = arith.andi %eq3A_29, %lt3A_24 : vector<512x4096xi1>
    %or3A = arith.ori %gt3A_26, %and3A : vector<512x4096xi1>
    %and3A_30 = arith.andi %eq3A_21, %or3A : vector<512x4096xi1>
    %convert_element_type3A = arith.extui %and3A_30 : vector<512x4096xi1> to vector<512x4096xi32>
    %convert_element_type3A_31 = arith.sitofp %convert_element_type3A : vector<512x4096xi32> to vector<512x4096xf32>
    %reduce_sum3A_32 = arith.constant dense<0.000000e+00> : vector<512xf32>
    %reduce_sum3A_33 = vector.multi_reduction <add>, %convert_element_type3A_31, %reduce_sum3A_32 [1] : vector<512x4096xf32> to vector<512xf32>
    %broadcast_in_dim3A_34 = vector.shape_cast %reduce_sum3A_33 : vector<512xf32> to vector<512x1xf32>
    %convert_element_type3A_35 = arith.extui %eq3A_21 : vector<512x4096xi1> to vector<512x4096xi32>
    %convert_element_type3A_36 = arith.sitofp %convert_element_type3A_35 : vector<512x4096xi32> to vector<512x4096xf32>
    %reduce_sum3A_37 = arith.constant dense<0.000000e+00> : vector<512xf32>
    %reduce_sum3A_38 = vector.multi_reduction <add>, %convert_element_type3A_36, %reduce_sum3A_37 [1] : vector<512x4096xf32> to vector<512xf32>
    %broadcast_in_dim3A_39 = vector.shape_cast %reduce_sum3A_38 : vector<512xf32> to vector<512x1xf32>
    %add3A_40 = arith.constant 9.99999997E-7 : f32
    %add3A_41 = vector.broadcast %add3A_40 : f32 to vector<512x1xf32>
    %add3A_42 = arith.addf %broadcast_in_dim3A_39, %add3A_41 : vector<512x1xf32>
    %div3A = arith.divf %broadcast_in_dim3A_34, %add3A_42 : vector<512x1xf32>
    %sub3A = arith.constant 1.000000e+00 : f32
    %sub3A_43 = vector.broadcast %sub3A : f32 to vector<512x1xf32>
    %sub3A_44 = arith.subf %sub3A_43, %div3A : vector<512x1xf32>
    %log3A = math.log %sub3A_44 : vector<512x1xf32>
    %mul3A_45 = arith.constant 2.000000e-01 : f32
    %mul3A_46 = vector.broadcast %mul3A_45 : f32 to vector<512x1xf32>
    %mul3A_47 = arith.mulf %mul3A_46, %log3A : vector<512x1xf32>
    %exp3A = math.exp %mul3A_47 : vector<512x1xf32>
    %add3A_48 = arith.constant 1.000000e+00 : f32
    %add3A_49 = vector.broadcast %add3A_48 : f32 to vector<512x1xf32>
    %add3A_50 = arith.addf %broadcast_in_dim3A_34, %add3A_49 : vector<512x1xf32>
    %add3A_51 = arith.constant 9.99999997E-7 : f32
    %add3A_52 = vector.broadcast %add3A_51 : f32 to vector<512x1xf32>
    %add3A_53 = arith.addf %broadcast_in_dim3A_39, %add3A_52 : vector<512x1xf32>
    %div3A_54 = arith.divf %add3A_50, %add3A_53 : vector<512x1xf32>
    %sub3A_55 = arith.constant 1.000000e+00 : f32
    %sub3A_56 = vector.broadcast %sub3A_55 : f32 to vector<512x1xf32>
    %sub3A_57 = arith.subf %sub3A_56, %div3A_54 : vector<512x1xf32>
    %log3A_58 = math.log %sub3A_57 : vector<512x1xf32>
    %mul3A_59 = arith.constant 2.000000e-01 : f32
    %mul3A_60 = vector.broadcast %mul3A_59 : f32 to vector<512x1xf32>
    %mul3A_61 = arith.mulf %mul3A_60, %log3A_58 : vector<512x1xf32>
    %exp3A_62 = math.exp %mul3A_61 : vector<512x1xf32>
    %add3A_63 = arith.constant 1.000000e+00 : f32
    %add3A_64 = vector.broadcast %add3A_63 : f32 to vector<512x1xf32>
    %add3A_65 = arith.addf %select_n3A, %add3A_64 : vector<512x1xf32>
    %mul3A_66 = arith.mulf %select_n3A, %add3A_65 : vector<512x1xf32>
    %mul3A_67 = arith.constant 5.000000e-01 : f32
    %mul3A_68 = vector.broadcast %mul3A_67 : f32 to vector<512x1xf32>
    %mul3A_69 = arith.mulf %mul3A_66, %mul3A_68 : vector<512x1xf32>
    %add3A_70 = arith.constant 1.000000e+00 : f32
    %add3A_71 = vector.broadcast %add3A_70 : f32 to vector<512x1xf32>
    %add3A_72 = arith.addf %broadcast_in_dim3A_34, %add3A_71 : vector<512x1xf32>
    %mul3A_73 = arith.mulf %exp3A_62, %add3A_72 : vector<512x1xf32>
    %mul3A_74 = arith.mulf %exp3A, %broadcast_in_dim3A_34 : vector<512x1xf32>
    %sub3A_75 = arith.subf %mul3A_73, %mul3A_74 : vector<512x1xf32>
    %mul3A_76 = arith.mulf %select_n3A, %sub3A_75 : vector<512x1xf32>
    %sub3A_77 = arith.subf %exp3A, %exp3A_62 : vector<512x1xf32>
    %mul3A_78 = arith.mulf %mul3A_69, %sub3A_77 : vector<512x1xf32>
    %add3A_79 = arith.addf %mul3A_76, %mul3A_78 : vector<512x1xf32>
    %sub3A_80 = arith.constant 4.096000e+03 : f32
    %sub3A_81 = vector.broadcast %sub3A_80 : f32 to vector<512x1xf32>
    %sub3A_82 = arith.subf %sub3A_81, %broadcast_in_dim3A_39 : vector<512x1xf32>
    %add3A_83 = arith.constant 9.99999997E-7 : f32
    %add3A_84 = vector.broadcast %add3A_83 : f32 to vector<512x1xf32>
    %add3A_85 = arith.addf %sub3A_82, %add3A_84 : vector<512x1xf32>
    %div3A_86 = arith.divf %add3A_79, %add3A_85 : vector<512x1xf32>
    %sub3A_87 = arith.constant 1.000000e+00 : f32
    %sub3A_88 = vector.broadcast %sub3A_87 : f32 to vector<512x1xf32>
    %sub3A_89 = arith.subf %sub3A_88, %get3A_10 : vector<512x1xf32>
    %integer_pow3A = arith.mulf %sub3A_89, %sub3A_89 : vector<512x1xf32>
    %log3A_90 = math.log %get3A_10 : vector<512x1xf32>
    %mul3A_91 = arith.mulf %integer_pow3A, %log3A_90 : vector<512x1xf32>
    %reduce_sum3A_92 = vector.shape_cast %mul3A_91 : vector<512x1xf32> to vector<1x512x1xf32>
    %reduce_sum3A_93 = arith.constant dense<0.000000e+00> : vector<1xf32>
    %reduce_sum3A_94 = vector.multi_reduction <add>, %reduce_sum3A_92, %reduce_sum3A_93 [1, 2] : vector<1x512x1xf32> to vector<1xf32>
    %reduce_sum3A_95 = vector.shape_cast %reduce_sum3A_94 : vector<1xf32> to vector<1x1x1xf32>
    %reduce_sum3A_96 = vector.extract %reduce_sum3A_95[0, 0, 0] : f32 from vector<1x1x1xf32>
    %reduce_sum3A_97 = vector.shape_cast %div3A_86 : vector<512x1xf32> to vector<1x512x1xf32>
    %reduce_sum3A_98 = arith.constant dense<0.000000e+00> : vector<1xf32>
    %reduce_sum3A_99 = vector.multi_reduction <add>, %reduce_sum3A_97, %reduce_sum3A_98 [1, 2] : vector<1x512x1xf32> to vector<1xf32>
    %reduce_sum3A_100 = vector.shape_cast %reduce_sum3A_99 : vector<1xf32> to vector<1x1x1xf32>
    %reduce_sum3A_101 = vector.extract %reduce_sum3A_100[0, 0, 0] : f32 from vector<1x1x1xf32>
    %mul3A_102 = arith.constant 1.600000e-01 : f32
    %mul3A_103 = arith.mulf %mul3A_102, %reduce_sum3A_101 : f32
    %mul3A_104 = arith.constant 2.000000e-01 : f32
    %mul3A_105 = arith.mulf %mul3A_104, %reduce_sum3A_96 : f32
    %add3A_106 = arith.addf %mul3A_103, %mul3A_105 : f32
    %div3A_107 = arith.constant 4.096000e+03 : f32
    %div3A_108 = arith.divf %add3A_106, %div3A_107 : f32
    %reshape3A = vector.broadcast %div3A_108 : f32 to vector<1x1xf32>
    %eq3A_109 = arith.constant 0 : i32
    %eq3A_110 = arith.cmpi eq, %arg0, %eq3A_109 : i32
    %convert_element_type3A_111 = arith.extui %eq3A_110 : i1 to i32
    %cond3A = arith.constant 4.096000e+03 : f32
    %cond3A_112 = arith.constant 0 : i32
    %cond3A_113 = arith.cmpi ne, %convert_element_type3A_111, %cond3A_112 : i32
    scf.if %cond3A_113 {
      %get3A_118 = arith.constant 0 : index
      %get3A_119 = arith.constant 0 : index
      %get3A_120 = vector.load %arg7[%get3A_118, %get3A_119] : memref<1x1024xf32, #tpu.memory_space<vmem>>, vector<1x1024xf32>
      %iota3A_121 = tpu.iota {dimensions = array<i32: 1>} : vector<1x1024xi32>
      %lt3A_122 = arith.constant 1000 : i32
      %lt3A_123 = vector.broadcast %lt3A_122 : i32 to vector<1x1024xi32>
      %lt3A_124 = arith.cmpi slt, %iota3A_121, %lt3A_123 : vector<1x1024xi32>
      %add3A_125 = arith.constant 9.99999997E-7 : f32
      %add3A_126 = vector.broadcast %add3A_125 : f32 to vector<1x1024xf32>
      %add3A_127 = arith.addf %get3A_120, %add3A_126 : vector<1x1024xf32>
      %div3A_128 = arith.constant 9.99999997E-7 : f32
      %div3A_129 = vector.broadcast %div3A_128 : f32 to vector<1x1024xf32>
      %div3A_130 = arith.divf %div3A_129, %add3A_127 : vector<1x1024xf32>
      %log3A_131 = math.log %div3A_130 : vector<1x1024xf32>
      %mul3A_132 = arith.constant 2.000000e-01 : f32
      %mul3A_133 = vector.broadcast %mul3A_132 : f32 to vector<1x1024xf32>
      %mul3A_134 = arith.mulf %mul3A_133, %log3A_131 : vector<1x1024xf32>
      %exp3A_135 = math.exp %mul3A_134 : vector<1x1024xf32>
      %add3A_136 = arith.constant 1.000000e+00 : f32
      %add3A_137 = arith.addf %cond3A, %add3A_136 : f32
      %mul3A_138 = arith.mulf %cond3A, %add3A_137 : f32
      %mul3A_139 = arith.constant 5.000000e-01 : f32
      %mul3A_140 = arith.mulf %mul3A_138, %mul3A_139 : f32
      %mul3A_141 = vector.broadcast %cond3A : f32 to vector<1x1024xf32>
      %mul3A_142 = arith.mulf %get3A_120, %mul3A_141 : vector<1x1024xf32>
      %sub3A_143 = vector.broadcast %mul3A_140 : f32 to vector<1x1024xf32>
      %sub3A_144 = arith.subf %sub3A_143, %mul3A_142 : vector<1x1024xf32>
      %mul3A_145 = arith.mulf %exp3A_135, %sub3A_144 : vector<1x1024xf32>
      %sub3A_146 = vector.broadcast %cond3A : f32 to vector<1x1024xf32>
      %sub3A_147 = arith.subf %sub3A_146, %get3A_120 : vector<1x1024xf32>
      %add3A_148 = arith.constant 9.99999997E-7 : f32
      %add3A_149 = vector.broadcast %add3A_148 : f32 to vector<1x1024xf32>
      %add3A_150 = arith.addf %sub3A_147, %add3A_149 : vector<1x1024xf32>
      %div3A_151 = arith.divf %mul3A_145, %add3A_150 : vector<1x1024xf32>
      %jit3A = arith.constant 0.000000e+00 : f32
      %broadcast_in_dim3A_152 = vector.broadcast %jit3A : f32 to vector<1x1024xf32>
      %select_n3A_153 = arith.select %lt3A_124, %div3A_151, %broadcast_in_dim3A_152 : vector<1x1024xi1>, vector<1x1024xf32>
      %reduce_sum3A_154 = vector.shape_cast %select_n3A_153 : vector<1x1024xf32> to vector<1x1x1024xf32>
      %reduce_sum3A_155 = arith.constant dense<0.000000e+00> : vector<1xf32>
      %reduce_sum3A_156 = vector.multi_reduction <add>, %reduce_sum3A_154, %reduce_sum3A_155 [1, 2] : vector<1x1x1024xf32> to vector<1xf32>
      %reduce_sum3A_157 = vector.shape_cast %reduce_sum3A_156 : vector<1xf32> to vector<1x1x1xf32>
      %reduce_sum3A_158 = vector.extract %reduce_sum3A_157[0, 0, 0] : f32 from vector<1x1x1xf32>
      %div3A_159 = arith.constant 1.600000e-01 : f32
      %div3A_160 = arith.divf %div3A_159, %cond3A : f32
      %mul3A_161 = arith.mulf %reduce_sum3A_158, %div3A_160 : f32
      %reshape3A_162 = vector.broadcast %mul3A_161 : f32 to vector<1x1xf32>
      %add3A_163 = arith.addf %reshape3A, %reshape3A_162 : vector<1x1xf32>
      %swap3A = arith.constant 0 : index
      %swap3A_164 = arith.constant 0 : index
      %swap3A_165 = vector.load %arg8[%swap3A, %swap3A_164] : memref<1x1xf32, #tpu.memory_space<vmem>>, vector<1x1xf32>
      tpu.vector_store %arg8[%swap3A, %swap3A_164], %add3A_163 {strides = array<i32>} : memref<1x1xf32, #tpu.memory_space<vmem>>, vector<1x1xf32>,
    } else {
    }
    %ne3A = arith.constant 0 : i32
    %ne3A_114 = arith.cmpi ne, %arg0, %ne3A : i32
    %convert_element_type3A_115 = arith.extui %ne3A_114 : i1 to i32
    %cond3A_116 = arith.constant 0 : i32
    %cond3A_117 = arith.cmpi ne, %convert_element_type3A_115, %cond3A_116 : i32
    scf.if %cond3A_117 {
      %get3A_118 = arith.constant 0 : index
      %get3A_119 = arith.constant 0 : index
      %get3A_120 = vector.load %arg8[%get3A_118, %get3A_119] : memref<1x1xf32, #tpu.memory_space<vmem>>, vector<1x1xf32>
      %add3A_121 = arith.addf %get3A_120, %reshape3A : vector<1x1xf32>
      %swap3A = arith.constant 0 : index
      %swap3A_122 = arith.constant 0 : index
      %swap3A_123 = vector.load %arg8[%swap3A, %swap3A_122] : memref<1x1xf32, #tpu.memory_space<vmem>>, vector<1x1xf32>
      tpu.vector_store %arg8[%swap3A, %swap3A_122], %add3A_121 {strides = array<i32>} : memref<1x1xf32, #tpu.memory_space<vmem>>, vector<1x1xf32>,
    } else {
    }
    return
  }
  func.func @transform_0(%arg0: i32) -> (i32, i32) {
    %c0_i32 = arith.constant 0 : i32
    %c0_i32_0 = arith.constant 0 : i32
    return %arg0, %c0_i32 : i32, i32
  }
  func.func @transform_1(%arg0: i32) -> (i32, i32) {
    %c0_i32 = arith.constant 0 : i32
    %c0_i32_0 = arith.constant 0 : i32
    return %arg0, %c0_i32 : i32, i32
  }
  func.func @transform_2(%arg0: i32) -> (i32, i32) {
    %c0_i32 = arith.constant 0 : i32
    %c0_i32_0 = arith.constant 0 : i32
    return %arg0, %c0_i32 : i32, i32
  }
  func.func @transform_3(%arg0: i32) -> (i32, i32) {
    %c0_i32 = arith.constant 0 : i32
    %c0_i32_0 = arith.constant 0 : i32
    return %arg0, %c0_i32 : i32, i32
  }
  func.func @transform_4(%arg0: i32) -> (i32, i32) {
    %c0_i32 = arith.constant 0 : i32
    %c0_i32_0 = arith.constant 0 : i32
    %c0_i32_1 = arith.constant 0 : i32
    return %c0_i32, %c0_i32_0 : i32, i32
  }
  func.func @transform_5(%arg0: i32) -> (i32, i32) {
    %c0_i32 = arith.constant 0 : i32
    %c0_i32_0 = arith.constant 0 : i32
    %c0_i32_1 = arith.constant 0 : i32
    return %c0_i32, %c0_i32_0 : i32, i32
  }
  func.func @transform_6(%arg0: i32) -> (i32, i32) {
    %c0_i32 = arith.constant 0 : i32
    %c0_i32_0 = arith.constant 0 : i32
    %c0_i32_1 = arith.constant 0 : i32
    return %c0_i32, %c0_i32_0 : i32, i32
  }
  func.func @transform_7(%arg0: i32) -> (i32, i32) {
    %c0_i32 = arith.constant 0 : i32
    %c0_i32_0 = arith.constant 0 : i32
    %c0_i32_1 = arith.constant 0 : i32
    return %c0_i32, %c0_i32_0 : i32, i32
  }
}

</mosaic_0001>

<sc_bundles>
// kernel: kernel.6.cloned.1.call-start
scs
__scs_entry_jumppad:
0x0: {  	(pc) =	sbr.rel $0x88, $3  }
0x1: {  	(tag) =	ssettag $0x0;
	lr =	simm.s32 $0x1  }
0x2: {  	[smem:$0x3F9F] =	sst lr;
	_ =	strace $0xD0000000  }
0x3: {  	_ = 	snop  }
0x4: {  	_ = 	snop  }
0x5: {  	_ = 	snop  }
0x6: {  	_ = 	snop  }
0x7: {  	_ = 	snop  }
__scs_overlays_trampoline_lowered:
0x8: {  	[smem:$0x3FAE] =	sst s0  }
0x9: {  	[smem:$0x3FAF] =	sst s1  }
0xa: {  	[smem:$0x3FB0] =	sst s2  }
0xb: {  	[smem:$0x3FB1] =	sst s3  }
0xc: {  	[smem:$0x3FB2] =	sst s4  }
0xd: {  	[smem:$0x3FB3] =	sst s5  }
0xe: {  	[smem:$0x3FB4] =	sst s6  }
0xf: {  	[smem:$0x3FB5] =	sst s7  }
0x10: {  	[smem:$0x3FB6] =	sst s8  }
0x11: {  	[smem:$0x3FB7] =	sst s9;
	s0 =	simm.s32 @!p0 $0x0  }
0x12: {  	s1 =	sld [smem:$0x3F9D];
	s0 =	simm.s32 @p0 $0x1  }
0x13: {  	[smem:$0x3FB8] =	sst s0;
	s0 =	simm.s32 @!p1 $0x0  }
0x14: {  	s2 =	sld [smem:$0x3F9C];
	s0 =	simm.s32 @p1 $0x1  }
0x15: {  	[smem:$0x3FB9] =	sst s0;
	s0 =	simm.s32 @!p2 $0x0  }
0x16: {  	s3 =	sld [smem:$0x3FDB];
	s0 =	simm.s32 @p2 $0x1  }
0x17: {  	s4 =	simm.s32 $0x1BF5;
	[smem:$0x3FBB] =	sst s0  }
0x18: {  	s0 =	sld [smem:$0x3F9E];
	_ =	swait.ge [sflag:s4], $0x0  }
0x19: {  	s7 =	sld [smem:$0x3F9F]  }
0x1a: {  	s8 =	sadd.s32 $0xFFFFE003, lr  }
0x1b: {  	s9 =	sadd.s32 $0xFFFFFEF7, lr;
	s5 =	simm.s32 $0xFFFFFFFF;
	p2 =	slt.u32 s8, $0xFFFFF086  }
0x1c: {  	p1 =	slt.u32 s9, $0xF7A;
	s5 =	simm.s32 @!p2 $0x0  }
0x1d: {  	s5 =	simm.s32 @p1 $0x1;
	p0 =	seq.s32 s7, s2  }
0x1e: {  	s7 =	smul.u32 @!p0 $0xF7A, s2;
	p2 =	seq.s32 @!p0 s5, $0x0  }
0x1f: {  	s9 =	smul.u32 $0xF7A, s1;
	s8 =	simm.s32 @!p0 $0x1BF5;
	p2 =	por !p2, p0  }
0x20: {  	[sflag:s8] =	ssyncset.s32 @!p0 $0xFFFFF086;
	s6 =	sadd.s32 @!p0 s3, s7;
	s7 =	simm.s32 @!p0 $0x108  }
0x21: {  	s3 =	sadd.s32 s3, s9;
	s6 =	sadd.s32 @!p0 $0x88, s6;
	s7 =	simm.s32 @p2 $0x1082  }
0x22: {  	[simem:s7], [sflag:s8] =	dma.local @!p0 [hbm:s6], $0xF7A  }
0x23: {  	s9 =	sor.u32 $0xD0000000, s2;
	s6 =	simm.s32 $0x108;
	_ =	swait.ge @!p0 [sflag:s8], $0x0  }
0x24: {  	s3 =	sadd.s32 $0x88, s3;
	s6 =	simm.s32 @!p1 $0x1082;
	[sflag:s4] =	ssyncset.s32 $0xFFFFF086  }
0x25: {  	[simem:s6], [sflag:s4] =	dma.local [hbm:s3], $0xF7A  }
0x26: {  	[smem:$0x3F9F] =	sst s1;
	(tag) =	ssettag s2;
	_ =	strace s9  }
0x27: {  	s1 =	sld [smem:$0x3FAF]  }
0x28: {  	s2 =	sld [smem:$0x3FB0]  }
0x29: {  	s4 =	sld [smem:$0x3FB2]  }
0x2a: {  	p0 =	seq.s32 s5, $0x0;
	s5 =	sld [smem:$0x3FB3]  }
0x2b: {  	s6 =	sld [smem:$0x3FB4]  }
0x2c: {  	s7 =	sld [smem:$0x3FB5]  }
0x2d: {  	s3 =	simm.s32 $0x108;
	s8 =	sld [smem:$0x3FB6]  }
0x2e: {  	s3 =	simm.s32 @!p0 $0x1082;
	s9 =	sld [smem:$0x3FB7]  }
0x2f: {  	lr =	sadd.s32 s0, s3;
	s0 =	sld [smem:$0x3FAE]  }
0x30: {  	s3 =	sld [smem:$0x3FB1]  }
0x31: {  	[smem:$0x3FBA] =	sst s10  }
0x32: {  	s10 =	sld [smem:$0x3FB8];
	_ =	sdelay $0x3  }
0x33: {  	p0 =	seq.s32 s10, $0x1;
	s10 =	sld [smem:$0x3FBA];
	_ =	sdelay $0x3  }
0x34: {  	[smem:$0x3FBA] =	sst s10  }
0x35: {  	s10 =	sld [smem:$0x3FB9];
	_ =	sdelay $0x3  }
0x36: {  	p1 =	seq.s32 s10, $0x1;
	s10 =	sld [smem:$0x3FBA];
	_ =	sdelay $0x3  }
0x37: {  	[smem:$0x3FBA] =	sst s10  }
0x38: {  	s10 =	sld [smem:$0x3FBB]  }
0x39: {  	_ = 	snop;
	(pc) =	sbr.ind lr, $3  }
0x3a: {  	_ = 	snop  }
0x3b: {  	_ = 	snop  }
0x3c: {  	p2 =	seq.s32 s10, $0x1;
	s10 =	sld [smem:$0x3FBA]  }
0x3d: {  	_ =	shalt  }
0x3e: {  	_ =	shalt  }
0x3f: {  	_ =	shalt  }
0x40: {  	_ =	shalt  }
0x41: {  	_ =	shalt  }
0x42: {  	_ =	shalt  }
0x43: {  	_ =	shalt  }
0x44: {  	_ =	shalt  }
0x45: {  	_ =	shalt  }
0x46: {  	_ =	shalt  }
0x47: {  	_ =	shalt  }
0x48: {  	_ =	shalt  }
0x49: {  	_ =	shalt  }
0x4a: {  	_ =	shalt  }
0x4b: {  	_ =	shalt  }
0x4c: {  	_ =	shalt  }
0x4d: {  	_ =	shalt  }
0x4e: {  	_ =	shalt  }
0x4f: {  	_ =	shalt  }
0x50: {  	_ =	shalt  }
0x51: {  	_ =	shalt  }
0x52: {  	_ =	shalt  }
0x53: {  	_ =	shalt  }
0x54: {  	_ =	shalt  }
0x55: {  	_ =	shalt  }
0x56: {  	_ =	shalt  }
0x57: {  	_ =	shalt  }
0x58: {  	_ =	shalt  }
0x59: {  	_ =	shalt  }
0x5a: {  	_ =	shalt  }
0x5b: {  	_ =	shalt  }
0x5c: {  	_ =	shalt  }
0x5d: {  	_ =	shalt  }
0x5e: {  	_ =	shalt  }
0x5f: {  	_ =	shalt  }
0x60: {  	_ =	shalt  }
0x61: {  	_ =	shalt  }
0x62: {  	_ =	shalt  }
0x63: {  	_ =	shalt  }
0x64: {  	_ =	shalt  }
0x65: {  	_ =	shalt  }
0x66: {  	_ =	shalt  }
0x67: {  	_ =	shalt  }
0x68: {  	_ =	shalt  }
0x69: {  	_ =	shalt  }
0x6a: {  	_ =	shalt  }
0x6b: {  	_ =	shalt  }
0x6c: {  	_ =	shalt  }
0x6d: {  	_ =	shalt  }
0x6e: {  	_ =	shalt  }
0x6f: {  	_ =	shalt  }
0x70: {  	_ =	shalt  }
0x71: {  	_ =	shalt  }
0x72: {  	_ =	shalt  }
0x73: {  	_ =	shalt  }
0x74: {  	_ =	shalt  }
0x75: {  	_ =	shalt  }
0x76: {  	_ =	shalt  }
0x77: {  	_ =	shalt  }
0x78: {  	_ =	shalt  }
0x79: {  	_ =	shalt  }
0x7a: {  	_ =	shalt  }
0x7b: {  	_ =	shalt  }
0x7c: {  	_ =	shalt  }
0x7d: {  	_ =	shalt  }
0x7e: {  	_ =	shalt  }
0x7f: {  	_ =	shalt  }
0x80: {  	_ =	shalt  }
0x81: {  	_ =	shalt  }
0x82: {  	_ =	shalt  }
0x83: {  	_ =	shalt  }
0x84: {  	_ =	shalt  }
0x85: {  	_ =	shalt  }
0x86: {  	_ =	shalt  }
0x87: {  	_ =	shalt  }
.Lfunc_end0:
.L_simem_size_0:
called_computation_lowered:
.L_overlay_start_0:
0x88: {  	s2 =	sld [smem:$0x3FD9]  }
0x89: {  	s3 =	sld [smem:$0x3FFE];
	_ =	sdelay $0x1  }
0x8a: {  	s1 =	srdreg.scid  }
0x8b: {  	s0 =	sand.u32 $0x1, s1  }
0x8c: {  	s17 =	sshll.u32 s0, $0xA;
	s2 =	sadd.s32 s3, s2  }
0x8d: {  	s2 =	sadd.s32 s2, s17  }
0x8e: {  	[smem:$0x3FC6] =	sst s2  }
0x8f: {  	_ = 	snop  }
0x90: {  	s2 =	sld [smem:$0x3FC8];
	(tm) =	ssettm $0x1  }
0x91: {  	s18 =	sld [smem:$0x3FFB];
	_ =	sdelay $0x3  }
0x92: {  	_ =	strace s18  }
0x93: {  	s3 =	sld [smem:$0x3FFC];
	_ =	sdelay $0x3  }
0x94: {  	_ =	strace s3  }
0x95: {  	s3 =	sld [smem:$0x3FFD];
	_ =	sdelay $0x3  }
0x96: {  	_ =	strace s3  }
0x97: {  	_ =	strace $0x8FFFFFFF  }
0x98: {  	s19 =	sld [smem:$0x3FDB];
	_ =	sdelay $0x1  }
0x99: {  	s4 =	simm.s32 $_scs_section_size  }
0x9a: {  	s5 =	simm.s32 $_size__tile_overlayer_lowered;
	s6 =	simm.s32 $_tile_overlayer_lowered  }
0x9b: {  	s22 =	simm.s32 $0x1BFF;
	s21 =	sshll.u32 s6, $0x1;
	s3 =	sadd.s32 s4, s19  }
0x9c: {  	s7 =	simm.s32 $0x0;
	s20 =	sshll.u32 s5, $0x1;
	s5 =	sadd.s32 s21, s3  }
0x9d: {  	[timem:s7], [sflag:s22] =	dma.local [hbm:s5], s20  }
0x9e: {  	_ =	swait.ge [sflag:s22], s20  }
0x9f: {  	s4 =	ssub.s32 $0x0, s20;
	[sflag:s22] =	ssyncset.done $0x0  }
0xa0: {  	[sflag:s22] =	ssyncadd.s32 s4;
	_ =	sdelay $0x1  }
0xa1: {  	s23 =	simm.s32 $0x1B8B  }
0xa2: {  	_ =	swait.ge [sflag:s23], $0x1  }
0xa3: {  	[sflag:s23] =	ssyncset.done $0x0  }
0xa4: {  	s25 =	simm.s32 $0x1B8E;
	s24 =	sld [smem:$0x3FFE];
	[sflag:s23] =	ssyncadd.s32 $0xFFFFFFFF  }
0xa5: {  	s26 =	simm.s32 $execute0_lowered;
	[smem:$0x3FD2] =	sst s25  }
0xa6: {  	s5 =	sshll.u32 s26, $0x1;
	_ =	strace $0x80000046;
	[dreg:$0x1] =	wrdreg $0xFFFFFFFF  }
0xa7: {  	s28 =	simm.s32 $_size_execute0_lowered;
	s3 =	sadd.s32 s3, s5;
	[dreg:$0x0] =	wrdreg $0x0  }
0xa8: {  	s5 =	sshll.u32 s28, $0x1;
	[dreg:$0x2] =	wrdreg s3  }
0xa9: {  	[dreg:$0x3] =	wrdreg s5  }
0xaa: {  	[dreg:$0x4] =	wrdreg $0xC0  }
0xab: {  	_ =	task [dreg:s7], $0x5FFFF  }
0xac: {  	[dreg:$0x1] =	wrdreg $0xFFFFFFFF  }
0xad: {  	[dreg:$0x0] =	wrdreg $0x60  }
0xae: {  	[dreg:$0x2] =	wrdreg s24  }
0xaf: {  	[dreg:$0x3] =	wrdreg s2  }
0xb0: {  	[dreg:$0x4] =	wrdreg $0x9  }
0xb1: {  	_ =	task.clear_ibuf [dreg:s7], $0x5FFFF;
	_ =	strace $0x90000046  }
0xb2: {  	s29 =	simm.s32 $0x9;
	_ =	strace $0x80000048  }
0xb3: {  	_ =	swait.ge [sflag:s29], $0x1  }
0xb4: {  	[sflag:s29] =	ssyncadd.s32 $0xFFFFFFFF  }
0xb5: {  	_ =	strace $0x90000048  }
0xb6: {  	_ =	sfence  }
0xb7: {  	s30 =	sld [smem:$0x0];
	_ =	sdelay $0x2  }
0xb8: {  	s31 =	sshll.u32 s1, $0xD;
	s1 =	sshrl.u32 s1, $0x2  }
0xb9: {  	s3 =	sand.u32 $0x4000, s31;
	s1 =	sadd.s32 s1, s30  }
0xba: {  	s0 =	sor.u32 s3, s0;
	s1 =	sshll.u32 s1, $0x11  }
0xbb: {  	s0 =	sor.u32 s1, s0  }
0xbc: {  	s0 =	sadd.s32 $0x8F2B, s0  }
0xbd: {  	[sflag:s0] =	ssyncadd.remote.s32 $0x1  }
0xbe: {  	_ =	sfence.sel $0xFFFF  }
0xbf: {  	[dreg:$0x0] =	wrdreg $0xFFFFFFFF;
	(pc) =	sbr.abs _section_cstart, $3  }
0xc0: {  	[dreg:$0x1] =	wrdreg $0xFFFFFFFF  }
0xc1: {  	_ =	task.clear_ibuf [dreg:s7], $0x2FFFF;
	_ =	strace $0x9FFFFFFF  }
0xc2: {  	(tm) =	ssettm $0x7FFFFFFF  }
0xc3: {  	_ =	shalt  }
tec
execute0_lowered:
.L_overlay_start_1:
0x0: {  	(tag) =	ssettag $0x1  }
0x1: {  	s0 =	rddreg [dreg:$0x0]  }
0x2: {  	s1 =	rddreg [dreg:$0x1];
	s23 =	simm.s32 $0x0;
	s2 =	srdreg.scid  }
0x3: {  	s3 =	stileid.u32;
	[smem:$0x7FF] =	sst s23;
	s2 =	sand.u32 $0x1, s2  }
0x4: {  	s3 =	sshll.u32 s3, $0x1;
	s29 =	sadd.s32 $0x80600, s0;
	s30 =	sadd.s32 $0x80700, s0  }
0x5: {  	s31 =	sadd.s32 $0x80800, s0;
	s24 =	sadd.s32 $0x80900, s0;
	s25 =	sadd.s32 $0x80A00, s0  }
0x6: {  	s11 =	sadd.s32 $0x80B00, s0;
	s12 =	sadd.s32 $0x80C00, s0;
	s13 =	sadd.s32 $0x80D00, s0  }
0x7: {  	s14 =	sadd.s32 $0x80E00, s0;
	s15 =	sadd.s32 $0x80F00, s0;
	s16 =	sadd.s32 $0x81000, s0  }
0x8: {  	s17 =	sadd.s32 $0x81100, s0;
	s18 =	sadd.s32 $0x81200, s0;
	s19 =	sadd.s32 $0x81300, s0  }
0x9: {  	s20 =	sadd.s32 $0x81400, s0;
	_ =	strace $0x80000047;
	[dreg:$0x5] =	wrdreg s24  }
0xa: {  	s4 =	sor.u32 s2, s3;
	s2 =	ssub.s32 $0x2, s2;
	[dreg:$0x6] =	wrdreg s25  }
0xb: {  	s5 =	sshll.u32 s4, $0x3;
	s7 =	sshll.u32 s4, $0x7;
	s8 =	sshrl.u32 s2, $0x1  }
0xc: {  	s4 =	sshll.u32 s4, $0x6;
	s6 =	sadd.s32 s5, s0;
	s1 =	sadd.s32 s1, s5  }
0xd: {  	s22 =	sadd.s32 s7, s0;
	s21 =	sadd.s32 $0x600, s6;
	[dreg:$0x4] =	wrdreg s1  }
0xe: {  	v0 =	vlaneseq.u32;
	vm0 =	vmmov $0xffff;
	v3 =	vimm.s32 $0x0;
	s2 =	ssub.s32 s2, s8;
	s26 =	sadd.s32 $0x800, s22;
	[dreg:$0x3] =	wrdreg s21  }
0xf: {  	v2 =	vshrl.u32 v0, $0x3;
	v3 =	vsel vm0, $0xFFFFFFFF, v3;
	s28 =	smax.u32 s2, $0x1;
	s1 =	simm.s32 $0x3;
	[dreg:$0x7] =	wrdreg s26  }
0x10: {  	v1 =	vand.u32 $0x7, v0;
	v2 =	vmul.u32 $0x8, v2;
	[tilespmem:$0x1FFF0] =	vst v3;
	v3 =	vimm.f32 $0.0e+00;
	s2 =	simm.s32 $0x0;
	s21 =	sadd.s32 $0x81500, s0;
	[dreg:$0x8] =	wrdreg s28  }
.LBB2_1:
0x11: {  	[dreg:$0x9] =	wrdreg s2  }
0x12: {  	s0 =	rddreg [dreg:$0x3]  }
0x13: {  	[tilespmem:s23], [sflag:$0x3] =	stream.linear.gather [hbm4b:s0+s23], $0x40, $0x38;
	[tilespmem:$0x10580] =	vst v63  }
0x14: {  	_ =	swait.ge [sflag:s1], $0x40  }
0x15: {  	[sflag:s1] =	ssyncset.done $0x0  }
0x16: {  	s10 =	simm.s32 $0x80;
	s9 =	rddreg [dreg:$0x4];
	[sflag:s1] =	ssyncadd.s32 $0xFFFFFFC0  }
0x17: {  	[tilespmem:s10], [sflag:$0x3] =	stream.linear.gather [hbm4b:s9+s23], $0x40, $0x38;
	[tilespmem:$0x10580] =	vst v63  }
0x18: {  	_ =	swait.ge [sflag:s1], $0x40  }
0x19: {  	[sflag:s1] =	ssyncset.done $0x0  }
0x1a: {  	[sflag:s1] =	ssyncadd.s32 $0xFFFFFFC0  }
0x1b: {  	v4 =	vld.msk [tilespmem:$0x80], $0xff;
	_ =	sdelay $0x4  }
0x1c: {  	v5 =	vshll.u32 v4, $0x5  }
0x1d: {  	v4 =	vand.u32 $0x7, v4;
	v5 =	vand.u32 $0xFFFFFF00, v5  }
0x1e: {  	v4 =	vor.u32 v4, v5  }
0x1f: {  	v4 =	vperm.xlane v4, v1  }
0x20: {  	v5 =	vld [tilespmem:$0x1FFF0]  }
0x21: {  	v4 =	vadd.s32 v2, v4;
	_ =	sdelay $0x3  }
0x22: {  	s22 =	simm.s32 $0x100;
	vm0 =	vnez.u8 v5  }
0x23: {  	[tilespmem:s22], [sflag:$0x1] =	stream.indirect_vreg.gather [hbm4b:s29+s23], $0x80, v4, vm0, $0xb8;
	[tilespmem:$0x10580] =	vst v63  }
0x24: {  	s24 =	simm.s32 $0x900  }
0x25: {  	[tilespmem:s24], [sflag:$0x1] =	stream.indirect_vreg.gather [hbm4b:s30+s23], $0x80, v4, vm0, $0xb8;
	[tilespmem:$0x10580] =	vst v63  }
0x26: {  	s25 =	simm.s32 $0x1100  }
0x27: {  	[tilespmem:s25], [sflag:$0x1] =	stream.indirect_vreg.gather [hbm4b:s31+s23], $0x80, v4, vm0, $0xb8;
	[tilespmem:$0x10580] =	vst v63  }
0x28: {  	s28 =	simm.s32 $0x1900;
	s26 =	rddreg [dreg:$0x5]  }
0x29: {  	[tilespmem:s28], [sflag:$0x1] =	stream.indirect_vreg.gather [hbm4b:s26+s23], $0x80, v4, vm0, $0xb8;
	[tilespmem:$0x10580] =	vst v63  }
0x2a: {  	s3 =	simm.s32 $0x2100;
	s2 =	rddreg [dreg:$0x6]  }
0x2b: {  	[tilespmem:s3], [sflag:$0x1] =	stream.indirect_vreg.gather [hbm4b:s2+s23], $0x80, v4, vm0, $0xb8;
	[tilespmem:$0x10580] =	vst v63  }
0x2c: {  	s5 =	simm.s32 $0x2900  }
0x2d: {  	[tilespmem:s5], [sflag:$0x1] =	stream.indirect_vreg.gather [hbm4b:s11+s23], $0x80, v4, vm0, $0xb8;
	[tilespmem:$0x10580] =	vst v63  }
0x2e: {  	s6 =	simm.s32 $0x3100  }
0x2f: {  	[tilespmem:s6], [sflag:$0x1] =	stream.indirect_vreg.gather [hbm4b:s12+s23], $0x80, v4, vm0, $0xb8;
	[tilespmem:$0x10580] =	vst v63  }
0x30: {  	s7 =	simm.s32 $0x3900  }
0x31: {  	[tilespmem:s7], [sflag:$0x1] =	stream.indirect_vreg.gather [hbm4b:s13+s23], $0x80, v4, vm0, $0xb8;
	[tilespmem:$0x10580] =	vst v63  }
0x32: {  	s8 =	simm.s32 $0x4100  }
0x33: {  	[tilespmem:s8], [sflag:$0x1] =	stream.indirect_vreg.gather [hbm4b:s14+s23], $0x80, v4, vm0, $0xb8;
	[tilespmem:$0x10580] =	vst v63  }
0x34: {  	s9 =	simm.s32 $0x4900  }
0x35: {  	[tilespmem:s9], [sflag:$0x1] =	stream.indirect_vreg.gather [hbm4b:s15+s23], $0x80, v4, vm0, $0xb8;
	[tilespmem:$0x10580] =	vst v63  }
0x36: {  	s10 =	simm.s32 $0x5100  }
0x37: {  	[tilespmem:s10], [sflag:$0x1] =	stream.indirect_vreg.gather [hbm4b:s16+s23], $0x80, v4, vm0, $0xb8;
	[tilespmem:$0x10580] =	vst v63  }
0x38: {  	s22 =	simm.s32 $0x5900  }
0x39: {  	[tilespmem:s22], [sflag:$0x1] =	stream.indirect_vreg.gather [hbm4b:s17+s23], $0x80, v4, vm0, $0xb8;
	[tilespmem:$0x10580] =	vst v63  }
0x3a: {  	s24 =	simm.s32 $0x6100  }
0x3b: {  	[tilespmem:s24], [sflag:$0x1] =	stream.indirect_vreg.gather [hbm4b:s18+s23], $0x80, v4, vm0, $0xb8;
	[tilespmem:$0x10580] =	vst v63  }
0x3c: {  	s25 =	simm.s32 $0x6900  }
0x3d: {  	[tilespmem:s25], [sflag:$0x1] =	stream.indirect_vreg.gather [hbm4b:s19+s23], $0x80, v4, vm0, $0xb8;
	[tilespmem:$0x10580] =	vst v63  }
0x3e: {  	s26 =	simm.s32 $0x7100  }
0x3f: {  	[tilespmem:s26], [sflag:$0x1] =	stream.indirect_vreg.gather [hbm4b:s20+s23], $0x80, v4, vm0, $0xb8;
	[tilespmem:$0x10580] =	vst v63  }
0x40: {  	s0 =	simm.s32 $0x0;
	s28 =	simm.s32 $0x7900  }
0x41: {  	[tilespmem:s28], [sflag:$0x1] =	stream.indirect_vreg.gather [hbm4b:s21+s23], $0x80, v4, vm0, $0xb8;
	[tilespmem:$0x10580] =	vst v63  }
.LBB2_2:
0x42: {  	s1 =	simm.s32 $0x1  }
0x43: {  	_ =	swait.ge [sflag:s1], $0x8000  }
0x44: {  	[sflag:s1] =	ssyncset.done $0x0  }
0x45: {  	s5 =	sshll.u32 s0, $0x4;
	[sflag:s1] =	ssyncadd.s32 $0xFFFF8000  }
0x46: {  	v4 =	vld.msk [tilespmem:s5+$0x88], $0xff;
	_ =	sdelay $0x4  }
0x47: {  	v5 =	vshll.u32 v4, $0x5  }
0x48: {  	v4 =	vand.u32 $0x7, v4;
	v5 =	vand.u32 $0xFFFFFF00, v5  }
0x49: {  	v4 =	vor.u32 v4, v5  }
0x4a: {  	v4 =	vperm.xlane v4, v1  }
0x4b: {  	v5 =	vld [tilespmem:$0x1FFF0]  }
0x4c: {  	v4 =	vadd.s32 v2, v4;
	_ =	sdelay $0x3  }
0x4d: {  	s6 =	simm.s32 $0x0;
	s25 =	simm.s32 $0x8100;
	vm0 =	vnez.u8 v5  }
0x4e: {  	[tilespmem:s25], [sflag:$0x2] =	stream.indirect_vreg.gather [hbm4b:s29+s6], $0x80, v4, vm0, $0xb8;
	[tilespmem:$0x10580] =	vst v63  }
0x4f: {  	s26 =	simm.s32 $0x8900  }
0x50: {  	[tilespmem:s26], [sflag:$0x2] =	stream.indirect_vreg.gather [hbm4b:s30+s6], $0x80, v4, vm0, $0xb8;
	[tilespmem:$0x10580] =	vst v63  }
0x51: {  	s8 =	smov.u32 s29;
	s28 =	simm.s32 $0x9100  }
0x52: {  	[tilespmem:s28], [sflag:$0x2] =	stream.indirect_vreg.gather [hbm4b:s31+s6], $0x80, v4, vm0, $0xb8;
	[tilespmem:$0x10580] =	vst v63  }
0x53: {  	s9 =	smov.u32 s30;
	s2 =	simm.s32 $0x9900;
	s29 =	rddreg [dreg:$0x5]  }
0x54: {  	[tilespmem:s2], [sflag:$0x2] =	stream.indirect_vreg.gather [hbm4b:s29+s6], $0x80, v4, vm0, $0xb8;
	[tilespmem:$0x10580] =	vst v63  }
0x55: {  	s10 =	smov.u32 s31;
	s30 =	rddreg [dreg:$0x6];
	s31 =	simm.s32 $0xA100  }
0x56: {  	[tilespmem:s31], [sflag:$0x2] =	stream.indirect_vreg.gather [hbm4b:s30+s6], $0x80, v4, vm0, $0xb8;
	[tilespmem:$0x10580] =	vst v63  }
0x57: {  	s3 =	simm.s32 $0xA900  }
0x58: {  	[tilespmem:s3], [sflag:$0x2] =	stream.indirect_vreg.gather [hbm4b:s11+s6], $0x80, v4, vm0, $0xb8;
	[tilespmem:$0x10580] =	vst v63  }
0x59: {  	s7 =	simm.s32 $0xB100  }
0x5a: {  	[tilespmem:s7], [sflag:$0x2] =	stream.indirect_vreg.gather [hbm4b:s12+s6], $0x80, v4, vm0, $0xb8;
	[tilespmem:$0x10580] =	vst v63  }
0x5b: {  	s22 =	simm.s32 $0xB900  }
0x5c: {  	[tilespmem:s22], [sflag:$0x2] =	stream.indirect_vreg.gather [hbm4b:s13+s6], $0x80, v4, vm0, $0xb8;
	[tilespmem:$0x10580] =	vst v63  }
0x5d: {  	s23 =	simm.s32 $0xC100  }
0x5e: {  	[tilespmem:s23], [sflag:$0x2] =	stream.indirect_vreg.gather [hbm4b:s14+s6], $0x80, v4, vm0, $0xb8;
	[tilespmem:$0x10580] =	vst v63  }
0x5f: {  	s24 =	simm.s32 $0xC900  }
0x60: {  	[tilespmem:s24], [sflag:$0x2] =	stream.indirect_vreg.gather [hbm4b:s15+s6], $0x80, v4, vm0, $0xb8;
	[tilespmem:$0x10580] =	vst v63  }
0x61: {  	s25 =	simm.s32 $0xD100  }
0x62: {  	[tilespmem:s25], [sflag:$0x2] =	stream.indirect_vreg.gather [hbm4b:s16+s6], $0x80, v4, vm0, $0xb8;
	[tilespmem:$0x10580] =	vst v63  }
0x63: {  	s26 =	simm.s32 $0xD900  }
0x64: {  	[tilespmem:s26], [sflag:$0x2] =	stream.indirect_vreg.gather [hbm4b:s17+s6], $0x80, v4, vm0, $0xb8;
	[tilespmem:$0x10580] =	vst v63  }
0x65: {  	s28 =	simm.s32 $0xE100  }
0x66: {  	[tilespmem:s28], [sflag:$0x2] =	stream.indirect_vreg.gather [hbm4b:s18+s6], $0x80, v4, vm0, $0xb8;
	[tilespmem:$0x10580] =	vst v63  }
0x67: {  	s29 =	simm.s32 $0xE900  }
0x68: {  	[tilespmem:s29], [sflag:$0x2] =	stream.indirect_vreg.gather [hbm4b:s19+s6], $0x80, v4, vm0, $0xb8;
	[tilespmem:$0x10580] =	vst v63  }
0x69: {  	s30 =	simm.s32 $0xF100;
	s22 =	sshll.u32 s0, $0x6  }
0x6a: {  	[tilespmem:s30], [sflag:$0x2] =	stream.indirect_vreg.gather [hbm4b:s20+s6], $0x80, v4, vm0, $0xb8;
	[tilespmem:$0x10580] =	vst v63  }
0x6b: {  	s31 =	simm.s32 $0xF900;
	s25 =	sshrl.u32 s22, $0x2  }
0x6c: {  	[tilespmem:s31], [sflag:$0x2] =	stream.indirect_vreg.gather [hbm4b:s21+s6], $0x80, v4, vm0, $0xb8;
	[tilespmem:$0x10580] =	vst v63  }
0x6d: {  	s1 =	sor.u32 $0x8, s5;
	s2 =	simm.s32 $0x500;
	v4 =	vld [tilespmem:s25+$0x0]  }
.LBB2_3:
0x6e: {  	s24 =	sor.u32 s5, s6  }
0x6f: {  	v5 =	vmov s6;
	s30 =	simm.s32 $0xF0;
	s28 =	simm.s32 $0xD0;
	s29 =	simm.s32 $0xE0  }
0x70: {  	s31 =	simm.s32 $0xB0;
	s3 =	simm.s32 $0x90;
	s7 =	simm.s32 $0x60;
	v8 =	vor.u32 s30, v0;
	v22 =	vor.u32 s28, v0;
	v19 =	vor.u32 s29, v0  }
0x71: {  	s23 =	sor.u32 s4, s24;
	s30 =	simm.s32 $0xC0;
	s28 =	simm.s32 $0x80;
	v23 =	vor.u32 s31, v0;
	v9 =	vor.u32 s3, v0;
	v12 =	vor.u32 s7, v0  }
0x72: {  	s31 =	simm.s32 $0x70;
	v7 =	vmov s23;
	v24 =	vor.u32 s30, v0;
	v10 =	vor.u32 s28, v0  }
0x73: {  	s3 =	simm.s32 $0x40;
	s7 =	simm.s32 $0x0;
	v11 =	vor.u32 s31, v0;
	v6 =	vperm.xlane v4, v5;
	v5 =	vimm.f32 $0.0e+00  }
0x74: {  	s26 =	simm.s32 $0xA0;
	s23 =	simm.s32 $0x50;
	s28 =	simm.s32 $0x30;
	v15 =	vor.u32 s3, v0;
	v20 =	vor.u32 s7, v0;
	vm4 =	vlt.u32 v8, v7;
	[tilespmem:$0x10500] =	vst v5  }
0x75: {  	s31 =	simm.s32 $0x10;
	v8 =	vor.u32 s26, v0;
	v13 =	vor.u32 s23, v0;
	v16 =	vor.u32 s28, v0;
	v14 =	vld [tilespmem:s2+$0xFFFFFC20]  }
0x76: {  	s26 =	simm.s32 $0x20;
	v21 =	vor.u32 s31, v0;
	vm7 =	vlt.u32 v19, v7;
	vm5 =	vlt.u32 v23, v7;
	v18 =	vld [tilespmem:s2+$0xFFFFFC00]  }
0x77: {  	vm6 =	vlt.u32 v24, v7;
	vm8 =	vlt.u32 v22, v7;
	s28 =	simm.s32 $0x1F0;
	s23 =	smov.u32 s2;
	v17 =	vor.u32 s26, v0;
	v19 =	vld [tilespmem:s2+$0xFFFFFC10]  }
.LBB2_4:
0x78: {  	v22 =	vimm.s32 $0x0  }
0x79: {  	vm0 =	vlt.u32 v8, v7;
	v8 =	vimm.s32 $0x0;
	vm11 =	vlt.u32 v13, v7  }
0x7a: {  	vm10 =	vlt.u32 v12, v7;
	vm9 =	vlt.u32 v11, v7;
	vm13 =	vlt.u32 v17, v7  }
0x7b: {  	vm14 =	vlt.u32 v16, v7;
	vm12 =	vlt.u32 v15, v7;
	v22 =	vsel vm4, $0xFFFFFFFF, v22  }
0x7c: {  	vm15 =	vlt.u32 v20, v7;
	v8 =	vsel vm0, $0xFFFFFFFF, v8;
	[tilespmem:$0x1FFE0] =	vst v22;
	v22 =	vimm.s32 $0x0  }
0x7d: {  	vm0 =	vlt.u32 v21, v7;
	[tilespmem:$0x1FFB0] =	vst v8;
	v22 =	vsel vm8, $0xFFFFFFFF, v22;
	vm8 =	vlt.u32 v10, v7  }
0x7e: {  	v8 =	vld [tilespmem:s23+$0xFFFFFC30];
	[tilespmem:$0x1FFC0] =	vst v22;
	v22 =	vimm.s32 $0x0;
	vm1 =	vgt.f32 v14, v6;
	vm2 =	vgt.f32 v18, v6  }
0x7f: {  	vm3 =	veq.f32 v18, v6;
	vm4 =	veq.f32 v19, v6;
	v22 =	vsel vm7, $0xFFFFFFFF, v22  }
0x80: {  	v12 =	vld [tilespmem:s23+$0xFFFFFC50];
	vm3 =	vmand vm15, vm3;
	vm15 =	vgt.f32 v19, v6;
	vm0 =	vmand vm0, vm4  }
0x81: {  	vm7 =	vlt.u32 v9, v7;
	v9 =	vld [tilespmem:s23+$0xFFFFFC40];
	vm2 =	vmor vm2, vm3;
	vm0 =	vmor vm15, vm0  }
0x82: {  	vm3 =	veq.f32 v14, v6;
	v10 =	vsel vm2, $0x3F800000, v3;
	v11 =	vsel vm0, $0x3F800000, v3  }
0x83: {  	vm13 =	vmand vm13, vm3;
	vm15 =	veq.f32 v8, v6;
	v10 =	vadd.f32 v11, v10  }
0x84: {  	vm0 =	vmor vm1, vm13;
	vm13 =	vgt.f32 v8, v6;
	vm1 =	vmand vm14, vm15  }
0x85: {  	v8 =	vld [tilespmem:s23+$0xFFFFFC60];
	vm14 =	veq.f32 v12, v6;
	v11 =	vsel vm0, $0x3F800000, v3;
	vm0 =	vmor vm13, vm1  }
0x86: {  	v10 =	vadd.f32 v11, v10;
	vm15 =	veq.f32 v9, v6;
	vm13 =	vgt.f32 v9, v6;
	v9 =	vld [tilespmem:s23+$0xFFFFFC70]  }
0x87: {  	v11 =	vsel vm0, $0x3F800000, v3;
	vm1 =	vmand vm12, vm15;
	vm15 =	vgt.f32 v12, v6  }
0x88: {  	v10 =	vadd.f32 v11, v10;
	vm0 =	vmor vm13, vm1;
	vm1 =	vmand vm11, vm14  }
0x89: {  	v12 =	vld [tilespmem:s23+$0x0];
	v11 =	vsel vm0, $0x3F800000, v3;
	vm0 =	vmor vm15, vm1  }
0x8a: {  	vm12 =	veq.f32 v8, v6;
	vm13 =	vgt.f32 v8, v6;
	v10 =	vadd.f32 v11, v10  }
0x8b: {  	vm1 =	vmand vm10, vm12;
	vm14 =	veq.f32 v9, v6;
	vm15 =	vgt.f32 v9, v6;
	v9 =	vld [tilespmem:s23+$0x20]  }
0x8c: {  	v11 =	vsel vm0, $0x3F800000, v3;
	vm0 =	vmor vm13, vm1  }
0x8d: {  	v10 =	vadd.f32 v11, v10;
	v11 =	vsel vm0, $0x3F800000, v3;
	vm1 =	vmand vm9, vm14  }
0x8e: {  	vm12 =	veq.f32 v12, v6;
	vm13 =	vgt.f32 v12, v6;
	vm0 =	vmor vm15, vm1  }
0x8f: {  	v8 =	vld [tilespmem:s23+$0x10];
	vm1 =	vmand vm8, vm12;
	v10 =	vadd.f32 v11, v10;
	v11 =	vsel vm0, $0x3F800000, v3  }
0x90: {  	vm0 =	vmor vm13, vm1;
	vm12 =	veq.f32 v9, v6;
	vm13 =	vgt.f32 v9, v6;
	v9 =	vld [tilespmem:$0x1FFB0];
	_ =	sdelay $0x2  }
0x91: {  	v12 =	vld [tilespmem:s23+$0x30]  }
0x92: {  	vm14 =	veq.f32 v8, v6;
	vm15 =	vgt.f32 v8, v6;
	v10 =	vadd.f32 v11, v10  }
0x93: {  	vm1 =	vmand vm7, vm14;
	v11 =	vsel vm0, $0x3F800000, v3;
	vm14 =	vnez.u8 v9;
	v9 =	vld [tilespmem:s23+$0x50]  }
0x94: {  	v8 =	vld [tilespmem:s23+$0x40];
	vm0 =	vmor vm15, vm1;
	v10 =	vadd.f32 v11, v10  }
0x95: {  	v11 =	vsel vm0, $0x3F800000, v3;
	vm1 =	vmand vm14, vm12  }
0x96: {  	vm15 =	veq.f32 v12, v6;
	v10 =	vadd.f32 v11, v10;
	vm0 =	vmor vm13, vm1  }
0x97: {  	vm12 =	vgt.f32 v12, v6;
	vm1 =	vmand vm5, vm15;
	v11 =	vsel vm0, $0x3F800000, v3  }
0x98: {  	vm0 =	vmor vm12, vm1;
	vm15 =	veq.f32 v9, v6;
	vm12 =	vgt.f32 v9, v6;
	v9 =	vld [tilespmem:$0x1FFC0]  }
0x99: {  	vm13 =	veq.f32 v8, v6;
	v10 =	vadd.f32 v11, v10  }
0x9a: {  	vm14 =	vgt.f32 v8, v6;
	vm1 =	vmand vm6, vm13;
	v11 =	vsel vm0, $0x3F800000, v3  }
0x9b: {  	vm0 =	vmor vm14, vm1;
	v10 =	vadd.f32 v11, v10  }
0x9c: {  	[tilespmem:$0x1FFD0] =	vst v22;
	v12 =	vld [tilespmem:s23+$0x60];
	v11 =	vsel vm0, $0x3F800000, v3  }
0x9d: {  	vm13 =	vnez.u8 v9;
	v9 =	vadd.f32 v11, v10;
	v11 =	vld [tilespmem:$0x1FFD0]  }
0x9e: {  	v8 =	vld [tilespmem:s23+$0x70];
	_ =	sdelay $0x2  }
0x9f: {  	vm1 =	vmand vm13, vm15  }
0xa0: {  	vm14 =	veq.f32 v12, v6;
	vm0 =	vmor vm12, vm1;
	vm12 =	vnez.u8 v11  }
0xa1: {  	vm13 =	veq.f32 v8, v6;
	vm1 =	vmand vm12, vm14;
	vm14 =	vgt.f32 v8, v6;
	v8 =	vld [tilespmem:$0x1FFE0];
	_ =	sdelay $0x3  }
0xa2: {  	vm15 =	vgt.f32 v12, v6;
	v10 =	vsel vm0, $0x3F800000, v3  }
0xa3: {  	v9 =	vadd.f32 v10, v9;
	vm0 =	vmor vm15, vm1;
	vm15 =	vnez.u8 v8  }
0xa4: {  	v10 =	vsel vm0, $0x3F800000, v3;
	vm1 =	vmand vm15, vm13  }
0xa5: {  	v8 =	vadd.f32 v10, v9;
	vm0 =	vmor vm14, vm1  }
0xa6: {  	s30 =	sadd.s32 $0xFFFFFFC0, s28;
	v9 =	vsel vm0, $0x3F800000, v3  }
0xa7: {  	s26 =	sadd.s32 $0xFFFFFFE0, s28;
	s31 =	sadd.s32 $0xFFFFFFD0, s28;
	v23 =	vor.u32 s30, v0;
	s30 =	sadd.s32 $0xFFFFFF60, s28;
	v8 =	vadd.f32 v9, v8  }
0xa8: {  	s29 =	sadd.s32 $0xFFFFFFF0, s28;
	v24 =	vor.u32 s31, v0;
	v13 =	vor.u32 s30, v0;
	v22 =	vor.u32 s26, v0  }
0xa9: {  	p0 =	sne.s32 s28, $0xFF0;
	v19 =	vor.u32 s29, v0;
	vm8 =	vlt.u32 v22, v7;
	v5 =	vadd.f32 v8, v5  }
.Ltmp0:
0xaa: {  	s7 =	sadd.s32 $0xFFFFFF80, s28;
	s31 =	sadd.s32 $0xFFFFFF70, s28;
	vm7 =	vlt.u32 v19, v7;
	vm5 =	vlt.u32 v23, v7;
	vm6 =	vlt.u32 v24, v7;
	(pc) =	sbr.rel @p0 .LBB2_4-.Ltmp0, $4  }
0xab: {  	s23 =	sadd.s32 $0x800, s23;
	v12 =	vor.u32 s31, v0;
	s31 =	sadd.s32 $0xFFFFFF20, s28;
	v11 =	vor.u32 s7, v0;
	s7 =	sadd.s32 $0xFFFFFF10, s28;
	v10 =	vor.u32 s28, v0;
	[tilespmem:$0x10500] =	vst v5  }
0xac: {  	s3 =	sadd.s32 $0xFFFFFFB0, s28;
	s29 =	sadd.s32 $0xFFFFFFA0, s28;
	s26 =	sadd.s32 $0xFFFFFF90, s28;
	v21 =	vor.u32 s31, v0;
	v20 =	vor.u32 s7, v0;
	vm4 =	vlt.u32 v10, v7;
	v14 =	vld [tilespmem:s23+$0xFFFFFC20]  }
0xad: {  	v10 =	vor.u32 s26, v0;
	s26 =	sadd.s32 $0xFFFFFF40, s28;
	v9 =	vor.u32 s29, v0;
	s29 =	sadd.s32 $0xFFFFFF50, s28;
	v8 =	vor.u32 s3, v0;
	s3 =	sadd.s32 $0xFFFFFF30, s28;
	v18 =	vld [tilespmem:s23+$0xFFFFFC00]  }
0xae: {  	v16 =	vor.u32 s26, v0;
	v15 =	vor.u32 s29, v0;
	s28 =	sadd.s32 $0x100, s28;
	v17 =	vor.u32 s3, v0;
	v19 =	vld [tilespmem:s23+$0xFFFFFC10]  }
0xaf: {  	v36 =	vld [tilespmem:s23+$0xFFFFFC30]  }
0xb0: {  	vm0 =	vlt.u32 v20, v7;
	vm1 =	vlt.u32 v21, v7;
	vm10 =	vlt.u32 v17, v7;
	v37 =	vld [tilespmem:s23+$0xFFFFFC40]  }
0xb1: {  	vm14 =	vlt.u32 v16, v7;
	vm11 =	veq.f32 v14, v6;
	vm13 =	vgt.f32 v14, v6  }
0xb2: {  	vm2 =	veq.f32 v18, v6;
	vm3 =	vgt.f32 v18, v6;
	vm12 =	vmand vm10, vm11  }
0xb3: {  	vm0 =	vmand vm0, vm2;
	vm15 =	veq.f32 v19, v6;
	vm9 =	vgt.f32 v19, v6  }
0xb4: {  	v40 =	vld [tilespmem:s23+$0xFFFFFC50];
	vm1 =	vmand vm1, vm15;
	vm0 =	vmor vm3, vm0;
	vm15 =	veq.f32 v36, v6  }
0xb5: {  	vm10 =	vgt.f32 v36, v6;
	vm11 =	veq.f32 v37, v6;
	vm1 =	vmor vm9, vm1  }
0xb6: {  	v38 =	vsel vm0, $0x3F800000, v3;
	vm0 =	vmor vm13, vm12;
	vm9 =	vlt.u32 v15, v7  }
0xb7: {  	v42 =	vld [tilespmem:s23+$0xFFFFFC60];
	vm12 =	vgt.f32 v37, v6;
	vm13 =	vlt.u32 v13, v7;
	v39 =	vsel vm1, $0x3F800000, v3  }
0xb8: {  	v41 =	vsel vm0, $0x3F800000, v3;
	vm1 =	vmand vm14, vm15;
	v14 =	vadd.f32 v39, v38  }
0xb9: {  	v44 =	vld [tilespmem:s23+$0xFFFFFC70];
	vm0 =	vmand vm9, vm11;
	vm14 =	veq.f32 v40, v6;
	vm15 =	vgt.f32 v40, v6  }
0xba: {  	v46 =	vld [tilespmem:s23+$0x0];
	vm9 =	vlt.u32 v12, v7;
	vm1 =	vmor vm10, vm1;
	v14 =	vadd.f32 v41, v14  }
0xbb: {  	vm11 =	vlt.u32 v11, v7;
	vm0 =	vmor vm12, vm0;
	v43 =	vsel vm1, $0x3F800000, v3  }
0xbc: {  	vm10 =	veq.f32 v42, v6;
	vm12 =	vgt.f32 v42, v6;
	v14 =	vadd.f32 v43, v14  }
0xbd: {  	v48 =	vld [tilespmem:s23+$0x10];
	vm1 =	vmand vm13, vm14;
	v45 =	vsel vm0, $0x3F800000, v3;
	vm0 =	vmand vm9, vm10  }
0xbe: {  	vm13 =	veq.f32 v44, v6;
	vm1 =	vmor vm15, vm1;
	v14 =	vadd.f32 v45, v14  }
0xbf: {  	vm14 =	vgt.f32 v44, v6;
	vm9 =	veq.f32 v46, v6;
	v47 =	vsel vm1, $0x3F800000, v3  }
0xc0: {  	vm10 =	vgt.f32 v46, v6;
	vm0 =	vmor vm12, vm0;
	v14 =	vadd.f32 v47, v14  }
0xc1: {  	v50 =	vld [tilespmem:s23+$0x20];
	vm15 =	vlt.u32 v10, v7;
	v49 =	vsel vm0, $0x3F800000, v3;
	vm1 =	vmand vm11, vm13  }
0xc2: {  	vm12 =	veq.f32 v48, v6;
	vm0 =	vmor vm14, vm1;
	v51 =	vadd.f32 v49, v14  }
0xc3: {  	v53 =	vld [tilespmem:s23+$0x30];
	vm11 =	vlt.u32 v9, v7;
	vm1 =	vmand vm15, vm9;
	v52 =	vsel vm0, $0x3F800000, v3  }
0xc4: {  	vm13 =	vlt.u32 v8, v7;
	vm1 =	vmor vm10, vm1;
	v12 =	vadd.f32 v52, v51  }
0xc5: {  	v7 =	vld [tilespmem:s23+$0x40];
	vm14 =	vgt.f32 v48, v6;
	vm0 =	vmand vm11, vm12;
	v54 =	vsel vm1, $0x3F800000, v3  }
0xc6: {  	vm15 =	veq.f32 v50, v6;
	vm0 =	vmor vm14, vm0;
	v55 =	vadd.f32 v54, v12  }
0xc7: {  	v57 =	vld [tilespmem:s23+$0x50];
	vm9 =	vmand vm13, vm15;
	vm10 =	vgt.f32 v50, v6;
	v56 =	vsel vm0, $0x3F800000, v3  }
0xc8: {  	vm11 =	veq.f32 v53, v6;
	vm0 =	vmor vm10, vm9;
	v8 =	vadd.f32 v56, v55  }
0xc9: {  	v59 =	vld [tilespmem:s23+$0x60];
	vm13 =	vgt.f32 v53, v6;
	vm12 =	vmand vm5, vm11;
	v58 =	vsel vm0, $0x3F800000, v3  }
0xca: {  	vm0 =	vmor vm13, vm12;
	vm14 =	veq.f32 v7, v6;
	v8 =	vadd.f32 v58, v8  }
0xcb: {  	vm5 =	vgt.f32 v7, v6;
	v7 =	vld [tilespmem:s23+$0x70];
	v60 =	vsel vm0, $0x3F800000, v3;
	vm15 =	vmand vm6, vm14  }
0xcc: {  	vm6 =	veq.f32 v57, v6;
	vm0 =	vmor vm5, vm15;
	v8 =	vadd.f32 v60, v8  }
0xcd: {  	vm9 =	vgt.f32 v57, v6;
	vm8 =	vmand vm8, vm6;
	v61 =	vsel vm0, $0x3F800000, v3  }
0xce: {  	vm10 =	veq.f32 v59, v6;
	vm0 =	vmor vm9, vm8;
	v8 =	vadd.f32 v61, v8  }
0xcf: {  	vm11 =	vmand vm7, vm10;
	vm12 =	vgt.f32 v59, v6;
	v62 =	vsel vm0, $0x3F800000, v3  }
0xd0: {  	vm0 =	vmor vm12, vm11;
	vm13 =	veq.f32 v7, v6;
	v8 =	vadd.f32 v62, v8  }
0xd1: {  	v63 =	vsel vm0, $0x3F800000, v3;
	vm15 =	vgt.f32 v7, v6;
	vm14 =	vmand vm4, vm13  }
0xd2: {  	vm0 =	vmor vm15, vm14;
	v6 =	vadd.f32 v63, v8  }
0xd3: {  	s6 =	sadd.s32 $0x1, s6;
	v7 =	vsel vm0, $0x3F800000, v3  }
0xd4: {  	p0 =	sne.s32 s6, $0x8;
	v6 =	vadd.f32 v7, v6  }
.Ltmp1:
0xd5: {  	_ = 	snop;
	(pc) =	sbr.rel @p0 .LBB2_3-.Ltmp1, $4  }
0xd6: {  	v5 =	vadd.f32 v6, v5  }
0xd7: {  	s3 =	sshll.u32 s24, $0x4  }
0xd8: {  	s3 =	sand.u32 $0x3FFFFFF0, s3;
	[tilespmem:$0x10500] =	vst v5  }
0xd9: {  	s2 =	sadd.s32 $0x80, s2;
	[tilespmem:s3+$0x10100] =	vst v5  }
0xda: {  	p0 =	seq.s32 s0, $0x3  }
0xdb: {  	s2 =	sshrl.u32 @!p0 s22, $0x2  }
0xdc: {  	v4 =	vld.msk @!p0 [tilespmem:s2+$0x90], $0xff;
	_ =	sdelay $0x4  }
0xdd: {  	v5 =	vshll.u32 @!p0 v4, $0x5  }
0xde: {  	v6 =	vlaneseq.u32 @!p0;
	v4 =	vand.u32 @!p0 $0x7, v4;
	v5 =	vand.u32 @!p0 $0xFFFFFF00, v5  }
0xdf: {  	v4 =	vor.u32 @!p0 v4, v5;
	v5 =	vand.u32 @!p0 $0x7, v6;
	v6 =	vshrl.u32 @!p0 v6, $0x3  }
0xe0: {  	v4 =	vperm.xlane @!p0 v4, v5;
	v5 =	vmul.u32 @!p0 $0x8, v6;
	_ =	sdelay $0x1  }
0xe1: {  	v4 =	vadd.s32 @!p0 v5, v4;
	_ =	sdelay $0x3  }
0xe2: {  	vm1 =	vmmov @!p0 $0xffff;
	s3 =	simm.s32 @!p0 $0x100;
	s2 =	simm.s32 @!p0 $0x0  }
0xe3: {  	[tilespmem:s3], [sflag:$0x1] =	stream.indirect_vreg.gather @!p0 [hbm4b:s8+s2], $0x80, v4, vm1, $0xb8;
	[tilespmem:$0x10580] =	vst v63  }
0xe4: {  	s3 =	simm.s32 @!p0 $0x900  }
0xe5: {  	[tilespmem:s3], [sflag:$0x1] =	stream.indirect_vreg.gather @!p0 [hbm4b:s9+s2], $0x80, v4, vm1, $0xb8;
	[tilespmem:$0x10580] =	vst v63  }
0xe6: {  	s3 =	simm.s32 @!p0 $0x1100  }
0xe7: {  	[tilespmem:s3], [sflag:$0x1] =	stream.indirect_vreg.gather @!p0 [hbm4b:s10+s2], $0x80, v4, vm1, $0xb8;
	[tilespmem:$0x10580] =	vst v63  }
0xe8: {  	s5 =	rddreg [dreg:$0x5];
	s3 =	simm.s32 @!p0 $0x1900  }
0xe9: {  	[tilespmem:s3], [sflag:$0x1] =	stream.indirect_vreg.gather @!p0 [hbm4b:s5+s2], $0x80, v4, vm1, $0xb8;
	[tilespmem:$0x10580] =	vst v63  }
0xea: {  	s3 =	simm.s32 @!p0 $0x2100;
	s5 =	rddreg [dreg:$0x6]  }
0xeb: {  	[tilespmem:s3], [sflag:$0x1] =	stream.indirect_vreg.gather @!p0 [hbm4b:s5+s2], $0x80, v4, vm1, $0xb8;
	[tilespmem:$0x10580] =	vst v63  }
0xec: {  	s3 =	simm.s32 @!p0 $0x2900  }
0xed: {  	[tilespmem:s3], [sflag:$0x1] =	stream.indirect_vreg.gather @!p0 [hbm4b:s11+s2], $0x80, v4, vm1, $0xb8;
	[tilespmem:$0x10580] =	vst v63  }
0xee: {  	s3 =	simm.s32 @!p0 $0x3100  }
0xef: {  	[tilespmem:s3], [sflag:$0x1] =	stream.indirect_vreg.gather @!p0 [hbm4b:s12+s2], $0x80, v4, vm1, $0xb8;
	[tilespmem:$0x10580] =	vst v63  }
0xf0: {  	s3 =	simm.s32 @!p0 $0x3900  }
0xf1: {  	[tilespmem:s3], [sflag:$0x1] =	stream.indirect_vreg.gather @!p0 [hbm4b:s13+s2], $0x80, v4, vm1, $0xb8;
	[tilespmem:$0x10580] =	vst v63  }
0xf2: {  	s3 =	simm.s32 @!p0 $0x4100  }
0xf3: {  	[tilespmem:s3], [sflag:$0x1] =	stream.indirect_vreg.gather @!p0 [hbm4b:s14+s2], $0x80, v4, vm1, $0xb8;
	[tilespmem:$0x10580] =	vst v63  }
0xf4: {  	s3 =	simm.s32 @!p0 $0x4900  }
0xf5: {  	[tilespmem:s3], [sflag:$0x1] =	stream.indirect_vreg.gather @!p0 [hbm4b:s15+s2], $0x80, v4, vm1, $0xb8;
	[tilespmem:$0x10580] =	vst v63  }
0xf6: {  	s3 =	simm.s32 @!p0 $0x5100  }
0xf7: {  	[tilespmem:s3], [sflag:$0x1] =	stream.indirect_vreg.gather @!p0 [hbm4b:s16+s2], $0x80, v4, vm1, $0xb8;
	[tilespmem:$0x10580] =	vst v63  }
0xf8: {  	s3 =	simm.s32 @!p0 $0x5900  }
0xf9: {  	[tilespmem:s3], [sflag:$0x1] =	stream.indirect_vreg.gather @!p0 [hbm4b:s17+s2], $0x80, v4, vm1, $0xb8;
	[tilespmem:$0x10580] =	vst v63  }
0xfa: {  	s3 =	simm.s32 @!p0 $0x6100  }
0xfb: {  	[tilespmem:s3], [sflag:$0x1] =	stream.indirect_vreg.gather @!p0 [hbm4b:s18+s2], $0x80, v4, vm1, $0xb8;
	[tilespmem:$0x10580] =	vst v63  }
0xfc: {  	s3 =	simm.s32 @!p0 $0x6900  }
0xfd: {  	[tilespmem:s3], [sflag:$0x1] =	stream.indirect_vreg.gather @!p0 [hbm4b:s19+s2], $0x80, v4, vm1, $0xb8;
	[tilespmem:$0x10580] =	vst v63  }
0xfe: {  	s3 =	simm.s32 @!p0 $0x7100  }
0xff: {  	[tilespmem:s3], [sflag:$0x1] =	stream.indirect_vreg.gather @!p0 [hbm4b:s20+s2], $0x80, v4, vm1, $0xb8;
	[tilespmem:$0x10580] =	vst v63  }
0x100: {  	s28 =	simm.s32 $0x2;
	s3 =	simm.s32 @!p0 $0x7900  }
0x101: {  	[tilespmem:s3], [sflag:$0x1] =	stream.indirect_vreg.gather @!p0 [hbm4b:s21+s2], $0x80, v4, vm1, $0xb8;
	[tilespmem:$0x10580] =	vst v63  }
0x102: {  	_ =	swait.ge [sflag:s28], $0x8000  }
0x103: {  	[sflag:s28] =	ssyncset.done $0x0  }
0x104: {  	s29 =	smov.u32 s8;
	s30 =	smov.u32 s9;
	[sflag:s28] =	ssyncadd.s32 $0xFFFF8000  }
0x105: {  	s31 =	smov.u32 s10;
	s6 =	simm.s32 $0x8500;
	s5 =	simm.s32 $0x0;
	v4 =	vld [tilespmem:s25+$0x0]  }
.LBB2_7:
0x106: {  	s22 =	sor.u32 s1, s5;
	s2 =	sor.u32 $0x8, s5  }
0x107: {  	s28 =	simm.s32 $0xF0;
	s3 =	simm.s32 $0xD0;
	s7 =	simm.s32 $0xE0;
	v5 =	vmov s2  }
0x108: {  	s8 =	simm.s32 $0xB0;
	s23 =	simm.s32 $0xC0;
	s9 =	simm.s32 $0x80;
	v8 =	vor.u32 s28, v0;
	v22 =	vor.u32 s3, v0;
	v19 =	vor.u32 s7, v0  }
0x109: {  	s10 =	simm.s32 $0x90;
	s25 =	simm.s32 $0x70;
	s26 =	sor.u32 s4, s22;
	v23 =	vor.u32 s8, v0;
	v24 =	vor.u32 s23, v0;
	v10 =	vor.u32 s9, v0  }
0x10a: {  	s28 =	simm.s32 $0x60;
	v9 =	vor.u32 s10, v0;
	v11 =	vor.u32 s25, v0;
	v7 =	vmov s26  }
0x10b: {  	s8 =	simm.s32 $0x20;
	s9 =	simm.s32 $0x30;
	s10 =	simm.s32 $0x40;
	v12 =	vor.u32 s28, v0;
	v6 =	vperm.xlane v4, v5;
	v5 =	vimm.f32 $0.0e+00  }
0x10c: {  	s24 =	simm.s32 $0xA0;
	s26 =	simm.s32 $0x50;
	v17 =	vor.u32 s8, v0;
	v16 =	vor.u32 s9, v0;
	v15 =	vor.u32 s10, v0;
	[tilespmem:$0x10500] =	vst v5  }
0x10d: {  	s28 =	simm.s32 $0x10;
	vm4 =	vlt.u32 v8, v7;
	v8 =	vor.u32 s24, v0;
	v13 =	vor.u32 s26, v0;
	v14 =	vld [tilespmem:s6+$0xFFFFFC20]  }
0x10e: {  	s26 =	simm.s32 $0x0;
	v21 =	vor.u32 s28, v0;
	vm7 =	vlt.u32 v19, v7;
	vm5 =	vlt.u32 v23, v7;
	v18 =	vld [tilespmem:s6+$0xFFFFFC00]  }
0x10f: {  	s23 =	simm.s32 $0x1F0;
	s2 =	smov.u32 s6;
	vm6 =	vlt.u32 v24, v7;
	vm8 =	vlt.u32 v22, v7;
	v20 =	vor.u32 s26, v0;
	v19 =	vld [tilespmem:s6+$0xFFFFFC10]  }
.LBB2_8:
0x110: {  	v22 =	vimm.s32 $0x0;
	vm0 =	vlt.u32 v8, v7;
	v8 =	vimm.s32 $0x0  }
0x111: {  	vm11 =	vlt.u32 v13, v7;
	vm10 =	vlt.u32 v12, v7;
	vm9 =	vlt.u32 v11, v7  }
0x112: {  	vm13 =	vlt.u32 v16, v7;
	vm14 =	vlt.u32 v20, v7;
	v22 =	vsel vm4, $0xFFFFFFFF, v22  }
0x113: {  	vm15 =	vlt.u32 v21, v7;
	v8 =	vsel vm0, $0xFFFFFFFF, v8;
	[tilespmem:$0x1FFA0] =	vst v22;
	v22 =	vimm.s32 $0x0  }
0x114: {  	vm0 =	vlt.u32 v17, v7;
	[tilespmem:$0x1FF70] =	vst v8;
	v22 =	vsel vm8, $0xFFFFFFFF, v22;
	vm8 =	vlt.u32 v10, v7  }
0x115: {  	v8 =	vld [tilespmem:s2+$0xFFFFFC30];
	[tilespmem:$0x1FF80] =	vst v22;
	v22 =	vimm.s32 $0x0;
	vm1 =	vgt.f32 v14, v6;
	vm2 =	vgt.f32 v18, v6  }
0x116: {  	vm3 =	veq.f32 v18, v6;
	vm4 =	veq.f32 v19, v6;
	v22 =	vsel vm7, $0xFFFFFFFF, v22  }
0x117: {  	vm3 =	vmand vm14, vm3;
	vm14 =	vgt.f32 v19, v6;
	vm4 =	vmand vm15, vm4  }
0x118: {  	vm7 =	vlt.u32 v9, v7;
	v9 =	vld [tilespmem:s2+$0xFFFFFC40];
	vm2 =	vmor vm2, vm3;
	vm3 =	vmor vm14, vm4  }
0x119: {  	v12 =	vld [tilespmem:s2+$0xFFFFFC50];
	vm4 =	veq.f32 v14, v6;
	v10 =	vsel vm2, $0x3F800000, v3;
	v11 =	vsel vm3, $0x3F800000, v3  }
0x11a: {  	vm0 =	vmand vm0, vm4;
	vm15 =	veq.f32 v8, v6;
	vm14 =	vgt.f32 v8, v6  }
0x11b: {  	v8 =	vld [tilespmem:s2+$0xFFFFFC60];
	v10 =	vadd.f32 v11, v10;
	vm0 =	vmor vm1, vm0;
	vm1 =	vmand vm13, vm15  }
0x11c: {  	vm12 =	vlt.u32 v15, v7;
	v11 =	vsel vm0, $0x3F800000, v3;
	vm0 =	vmor vm14, vm1  }
0x11d: {  	v10 =	vadd.f32 v11, v10;
	vm15 =	veq.f32 v9, v6;
	vm13 =	vgt.f32 v9, v6;
	v9 =	vld [tilespmem:s2+$0xFFFFFC70]  }
0x11e: {  	vm14 =	veq.f32 v12, v6;
	v11 =	vsel vm0, $0x3F800000, v3;
	vm1 =	vmand vm12, vm15  }
0x11f: {  	vm15 =	vgt.f32 v12, v6;
	v10 =	vadd.f32 v11, v10;
	vm0 =	vmor vm13, vm1  }
0x120: {  	v12 =	vld [tilespmem:s2+$0x0];
	vm1 =	vmand vm11, vm14;
	vm12 =	veq.f32 v8, v6;
	vm13 =	vgt.f32 v8, v6  }
0x121: {  	v11 =	vsel vm0, $0x3F800000, v3;
	vm0 =	vmor vm15, vm1;
	vm1 =	vmand vm10, vm12  }
0x122: {  	v10 =	vadd.f32 v11, v10;
	vm14 =	veq.f32 v9, v6;
	vm15 =	vgt.f32 v9, v6;
	v9 =	vld [tilespmem:s2+$0x20]  }
0x123: {  	v11 =	vsel vm0, $0x3F800000, v3;
	vm0 =	vmor vm13, vm1  }
0x124: {  	v10 =	vadd.f32 v11, v10;
	v11 =	vsel vm0, $0x3F800000, v3;
	vm1 =	vmand vm9, vm14  }
0x125: {  	vm12 =	veq.f32 v12, v6;
	vm13 =	vgt.f32 v12, v6;
	vm0 =	vmor vm15, vm1  }
0x126: {  	v8 =	vld [tilespmem:s2+$0x10];
	vm1 =	vmand vm8, vm12;
	v10 =	vadd.f32 v11, v10;
	v11 =	vsel vm0, $0x3F800000, v3  }
0x127: {  	vm0 =	vmor vm13, vm1;
	vm12 =	veq.f32 v9, v6;
	vm13 =	vgt.f32 v9, v6;
	v9 =	vld [tilespmem:$0x1FF70];
	_ =	sdelay $0x2  }
0x128: {  	v12 =	vld [tilespmem:s2+$0x30]  }
0x129: {  	vm14 =	veq.f32 v8, v6;
	vm15 =	vgt.f32 v8, v6;
	v10 =	vadd.f32 v11, v10  }
0x12a: {  	vm1 =	vmand vm7, vm14;
	v11 =	vsel vm0, $0x3F800000, v3;
	vm14 =	vnez.u8 v9;
	v9 =	vld [tilespmem:s2+$0x50]  }
0x12b: {  	v8 =	vld [tilespmem:s2+$0x40];
	vm0 =	vmor vm15, vm1;
	v10 =	vadd.f32 v11, v10  }
0x12c: {  	v11 =	vsel vm0, $0x3F800000, v3;
	vm1 =	vmand vm14, vm12  }
0x12d: {  	vm15 =	veq.f32 v12, v6;
	v10 =	vadd.f32 v11, v10;
	vm0 =	vmor vm13, vm1  }
0x12e: {  	vm12 =	vgt.f32 v12, v6;
	vm1 =	vmand vm5, vm15;
	v11 =	vsel vm0, $0x3F800000, v3  }
0x12f: {  	vm0 =	vmor vm12, vm1;
	vm15 =	veq.f32 v9, v6;
	vm12 =	vgt.f32 v9, v6;
	v9 =	vld [tilespmem:$0x1FF80]  }
0x130: {  	vm13 =	veq.f32 v8, v6;
	v10 =	vadd.f32 v11, v10  }
0x131: {  	vm14 =	vgt.f32 v8, v6;
	vm1 =	vmand vm6, vm13;
	v11 =	vsel vm0, $0x3F800000, v3  }
0x132: {  	vm0 =	vmor vm14, vm1;
	v10 =	vadd.f32 v11, v10  }
0x133: {  	[tilespmem:$0x1FF90] =	vst v22;
	v12 =	vld [tilespmem:s2+$0x60];
	v11 =	vsel vm0, $0x3F800000, v3  }
0x134: {  	vm13 =	vnez.u8 v9;
	v9 =	vadd.f32 v11, v10;
	v11 =	vld [tilespmem:$0x1FF90]  }
0x135: {  	v8 =	vld [tilespmem:s2+$0x70];
	_ =	sdelay $0x2  }
0x136: {  	vm1 =	vmand vm13, vm15  }
0x137: {  	vm14 =	veq.f32 v12, v6;
	vm0 =	vmor vm12, vm1;
	vm12 =	vnez.u8 v11  }
0x138: {  	vm13 =	veq.f32 v8, v6;
	vm1 =	vmand vm12, vm14;
	vm14 =	vgt.f32 v8, v6;
	v8 =	vld [tilespmem:$0x1FFA0];
	_ =	sdelay $0x3  }
0x139: {  	vm15 =	vgt.f32 v12, v6;
	v10 =	vsel vm0, $0x3F800000, v3  }
0x13a: {  	v9 =	vadd.f32 v10, v9;
	vm0 =	vmor vm15, vm1;
	vm15 =	vnez.u8 v8  }
0x13b: {  	v10 =	vsel vm0, $0x3F800000, v3;
	vm1 =	vmand vm15, vm13  }
0x13c: {  	v8 =	vadd.f32 v10, v9;
	vm0 =	vmor vm14, vm1  }
0x13d: {  	s24 =	sadd.s32 $0xFFFFFFC0, s23;
	v9 =	vsel vm0, $0x3F800000, v3  }
0x13e: {  	s25 =	sadd.s32 $0xFFFFFFD0, s23;
	s8 =	sadd.s32 $0xFFFFFF30, s23;
	v23 =	vor.u32 s24, v0;
	s24 =	sadd.s32 $0xFFFFFF60, s23;
	v8 =	vadd.f32 v9, v8  }
0x13f: {  	s3 =	sadd.s32 $0xFFFFFFE0, s23;
	s7 =	sadd.s32 $0xFFFFFFF0, s23;
	v24 =	vor.u32 s25, v0;
	v17 =	vor.u32 s8, v0;
	v13 =	vor.u32 s24, v0  }
0x140: {  	p0 =	sne.s32 s23, $0xFF0;
	v19 =	vor.u32 s7, v0;
	v22 =	vor.u32 s3, v0;
	v5 =	vadd.f32 v8, v5  }
.Ltmp2:
0x141: {  	s28 =	sadd.s32 $0xFFFFFF80, s23;
	s25 =	sadd.s32 $0xFFFFFF70, s23;
	vm8 =	vlt.u32 v22, v7;
	vm7 =	vlt.u32 v19, v7;
	vm5 =	vlt.u32 v23, v7;
	(pc) =	sbr.rel @p0 .LBB2_8-.Ltmp2, $4  }
0x142: {  	s2 =	sadd.s32 $0x800, s2;
	vm6 =	vlt.u32 v24, v7;
	v12 =	vor.u32 s25, v0;
	s25 =	sadd.s32 $0xFFFFFF10, s23;
	v11 =	vor.u32 s28, v0;
	s28 =	sadd.s32 $0xFFFFFF20, s23;
	[tilespmem:$0x10500] =	vst v5  }
0x143: {  	s9 =	sadd.s32 $0xFFFFFF90, s23;
	s10 =	sadd.s32 $0xFFFFFFA0, s23;
	v20 =	vor.u32 s25, v0;
	v21 =	vor.u32 s28, v0;
	v10 =	vor.u32 s23, v0;
	v14 =	vld [tilespmem:s2+$0xFFFFFC20]  }
0x144: {  	s26 =	sadd.s32 $0xFFFFFFB0, s23;
	vm4 =	vlt.u32 v10, v7;
	v10 =	vor.u32 s9, v0;
	s9 =	sadd.s32 $0xFFFFFF40, s23;
	v9 =	vor.u32 s10, v0;
	s10 =	sadd.s32 $0xFFFFFF50, s23;
	v18 =	vld [tilespmem:s2+$0xFFFFFC00]  }
0x145: {  	v16 =	vor.u32 s9, v0;
	s23 =	sadd.s32 $0x100, s23;
	v15 =	vor.u32 s10, v0;
	v8 =	vor.u32 s26, v0;
	v19 =	vld [tilespmem:s2+$0xFFFFFC10]  }
0x146: {  	v36 =	vld [tilespmem:s2+$0xFFFFFC30]  }
0x147: {  	vm0 =	vlt.u32 v20, v7;
	vm1 =	vlt.u32 v21, v7;
	vm10 =	vlt.u32 v17, v7;
	v37 =	vld [tilespmem:s2+$0xFFFFFC40]  }
0x148: {  	vm14 =	vlt.u32 v16, v7;
	vm11 =	veq.f32 v14, v6;
	vm13 =	vgt.f32 v14, v6  }
0x149: {  	vm2 =	veq.f32 v18, v6;
	vm3 =	vgt.f32 v18, v6;
	vm12 =	vmand vm10, vm11  }
0x14a: {  	vm0 =	vmand vm0, vm2;
	vm15 =	veq.f32 v19, v6;
	vm9 =	vgt.f32 v19, v6  }
0x14b: {  	v40 =	vld [tilespmem:s2+$0xFFFFFC50];
	vm1 =	vmand vm1, vm15;
	vm0 =	vmor vm3, vm0;
	vm15 =	veq.f32 v36, v6  }
0x14c: {  	vm10 =	vgt.f32 v36, v6;
	vm11 =	veq.f32 v37, v6;
	vm1 =	vmor vm9, vm1  }
0x14d: {  	v38 =	vsel vm0, $0x3F800000, v3;
	vm0 =	vmor vm13, vm12;
	vm9 =	vlt.u32 v15, v7  }
0x14e: {  	v42 =	vld [tilespmem:s2+$0xFFFFFC60];
	vm12 =	vgt.f32 v37, v6;
	vm13 =	vlt.u32 v13, v7;
	v39 =	vsel vm1, $0x3F800000, v3  }
0x14f: {  	v41 =	vsel vm0, $0x3F800000, v3;
	vm1 =	vmand vm14, vm15;
	v14 =	vadd.f32 v39, v38  }
0x150: {  	v44 =	vld [tilespmem:s2+$0xFFFFFC70];
	vm0 =	vmand vm9, vm11;
	vm14 =	veq.f32 v40, v6;
	vm15 =	vgt.f32 v40, v6  }
0x151: {  	v46 =	vld [tilespmem:s2+$0x0];
	vm9 =	vlt.u32 v12, v7;
	vm1 =	vmor vm10, vm1;
	v14 =	vadd.f32 v41, v14  }
0x152: {  	vm11 =	vlt.u32 v11, v7;
	vm0 =	vmor vm12, vm0;
	v43 =	vsel vm1, $0x3F800000, v3  }
0x153: {  	vm10 =	veq.f32 v42, v6;
	vm12 =	vgt.f32 v42, v6;
	v14 =	vadd.f32 v43, v14  }
0x154: {  	v48 =	vld [tilespmem:s2+$0x10];
	vm1 =	vmand vm13, vm14;
	v45 =	vsel vm0, $0x3F800000, v3;
	vm0 =	vmand vm9, vm10  }
0x155: {  	vm13 =	veq.f32 v44, v6;
	vm1 =	vmor vm15, vm1;
	v14 =	vadd.f32 v45, v14  }
0x156: {  	vm14 =	vgt.f32 v44, v6;
	vm9 =	veq.f32 v46, v6;
	v47 =	vsel vm1, $0x3F800000, v3  }
0x157: {  	vm10 =	vgt.f32 v46, v6;
	vm0 =	vmor vm12, vm0;
	v14 =	vadd.f32 v47, v14  }
0x158: {  	v50 =	vld [tilespmem:s2+$0x20];
	vm15 =	vlt.u32 v10, v7;
	v49 =	vsel vm0, $0x3F800000, v3;
	vm1 =	vmand vm11, vm13  }
0x159: {  	vm12 =	veq.f32 v48, v6;
	vm0 =	vmor vm14, vm1;
	v51 =	vadd.f32 v49, v14  }
0x15a: {  	v53 =	vld [tilespmem:s2+$0x30];
	vm11 =	vlt.u32 v9, v7;
	vm1 =	vmand vm15, vm9;
	v52 =	vsel vm0, $0x3F800000, v3  }
0x15b: {  	vm13 =	vlt.u32 v8, v7;
	vm1 =	vmor vm10, vm1;
	v12 =	vadd.f32 v52, v51  }
0x15c: {  	v7 =	vld [tilespmem:s2+$0x40];
	vm14 =	vgt.f32 v48, v6;
	vm0 =	vmand vm11, vm12;
	v54 =	vsel vm1, $0x3F800000, v3  }
0x15d: {  	vm15 =	veq.f32 v50, v6;
	vm0 =	vmor vm14, vm0;
	v55 =	vadd.f32 v54, v12  }
0x15e: {  	v57 =	vld [tilespmem:s2+$0x50];
	vm9 =	vmand vm13, vm15;
	vm10 =	vgt.f32 v50, v6;
	v56 =	vsel vm0, $0x3F800000, v3  }
0x15f: {  	vm11 =	veq.f32 v53, v6;
	vm0 =	vmor vm10, vm9;
	v8 =	vadd.f32 v56, v55  }
0x160: {  	v59 =	vld [tilespmem:s2+$0x60];
	vm13 =	vgt.f32 v53, v6;
	vm12 =	vmand vm5, vm11;
	v58 =	vsel vm0, $0x3F800000, v3  }
0x161: {  	vm0 =	vmor vm13, vm12;
	vm14 =	veq.f32 v7, v6;
	v8 =	vadd.f32 v58, v8  }
0x162: {  	vm5 =	vgt.f32 v7, v6;
	v7 =	vld [tilespmem:s2+$0x70];
	v60 =	vsel vm0, $0x3F800000, v3;
	vm15 =	vmand vm6, vm14  }
0x163: {  	vm6 =	veq.f32 v57, v6;
	vm0 =	vmor vm5, vm15;
	v8 =	vadd.f32 v60, v8  }
0x164: {  	vm9 =	vgt.f32 v57, v6;
	vm8 =	vmand vm8, vm6;
	v61 =	vsel vm0, $0x3F800000, v3  }
0x165: {  	vm10 =	veq.f32 v59, v6;
	vm0 =	vmor vm9, vm8;
	v8 =	vadd.f32 v61, v8  }
0x166: {  	vm11 =	vmand vm7, vm10;
	vm12 =	vgt.f32 v59, v6;
	v62 =	vsel vm0, $0x3F800000, v3  }
0x167: {  	vm0 =	vmor vm12, vm11;
	vm13 =	veq.f32 v7, v6;
	v8 =	vadd.f32 v62, v8  }
0x168: {  	v63 =	vsel vm0, $0x3F800000, v3;
	vm15 =	vgt.f32 v7, v6;
	vm14 =	vmand vm4, vm13  }
0x169: {  	vm0 =	vmor vm15, vm14;
	v6 =	vadd.f32 v63, v8  }
0x16a: {  	s5 =	sadd.s32 $0x1, s5;
	v7 =	vsel vm0, $0x3F800000, v3  }
0x16b: {  	p0 =	sne.s32 s5, $0x8;
	v6 =	vadd.f32 v7, v6  }
.Ltmp3:
0x16c: {  	_ = 	snop;
	(pc) =	sbr.rel @p0 .LBB2_7-.Ltmp3, $4  }
0x16d: {  	v5 =	vadd.f32 v6, v5  }
0x16e: {  	s28 =	sshll.u32 s22, $0x4  }
0x16f: {  	s2 =	sand.u32 $0x3FFFFFF0, s28;
	[tilespmem:$0x10500] =	vst v5  }
0x170: {  	s6 =	sadd.s32 $0x80, s6;
	[tilespmem:s2+$0x10100] =	vst v5  }
0x171: {  	s0 =	sadd.s32 $0x1, s0  }
0x172: {  	p0 =	sne.s32 s0, $0x4  }
.Ltmp4:
0x173: {  	_ = 	snop;
	(pc) =	sbr.rel @p0 .LBB2_2-.Ltmp4, $1  }
0x174: {  	_ =	sdelay $0x3  }
0x175: {  	s23 =	simm.s32 $0x0;
	s0 =	rddreg [dreg:$0x7];
	s1 =	simm.s32 $0x10100  }
0x176: {  	[hbm4b:s0+s23] =	stream.linear.scatter [tilespmem:s1], [sflag:$0x3], $0x400, $0x38;
	[tilespmem:$0x10580] =	vst v63  }
0x177: {  	s1 =	simm.s32 $0x3  }
0x178: {  	_ =	swait.ge [sflag:s1], $0x400  }
0x179: {  	s2 =	rddreg [dreg:$0x9]  }
0x17a: {  	s28 =	rddreg [dreg:$0x8];
	s2 =	sadd.s32 $0x1, s2  }
0x17b: {  	p0 =	sne.s32 s2, s28  }
.Ltmp5:
0x17c: {  	_ = 	snop;
	(pc) =	sbr.rel @p0 .LBB2_1-.Ltmp5, $3  }
0x17d: {  	_ =	sdelay $0x1  }
0x17e: {  	[sflag:s1] =	ssyncset.done $0x0  }
0x17f: {  	[sflag:s1] =	ssyncadd.s32 $0xFFFFFC00  }
0x180: {  	_ =	sfence.sel $0x180000  }
0x181: {  	[bflag:$0x0] =	sbarrier.arrive $0xFFFF  }
0x182: {  	_ =	strace $0x90000047  }
0x183: {  	s0 =	stileid.u32;
	[bflag:$0x2] =	sbarrier.arrive $0xFFFF  }
0x184: {  	p0 =	sne.s32 s0, $0x0;
	s0 =	rddreg [dreg:$0x2]  }
0x185: {  	s0 =	sadd.s32 @!p0 $0x100000, s0  }
0x186: {  	[sflag:s0] =	ssyncadd.tile.s32 @!p0 $0x1;
	_ =	shalt  }
.Lfunc_end2:
_tile_overlayer_lowered:
.L_overlay_start_2:
0x187: {  	(tag) =	ssettag $0x2  }
0x188: {  	s0 =	rddreg [dreg:$0x0];
	s2 =	stileid.u32  }
0x189: {  	s1 =	rddreg [dreg:$0x1];
	p0 =	sne.s32 s2, $0x0  }
0x18a: {  	s3 =	rddreg [dreg:$0x2];
	[bflag:$0x3] =	sbarrier.arrive $0xFFFF;
	s2 =	simm.s32 @!p0 $0x1C03  }
0x18b: {  	[timem:s3], [sflag:s2] =	dma.local @!p0 [hbm:s0], s1  }
0x18c: {  	s0 =	simm.s32 @!p0 $0x3  }
0x18d: {  	_ =	swait.ge @!p0 [sflag:s0], s1  }
0x18e: {  	s1 =	ssub.s32 @!p0 $0x0, s1;
	[sflag:s0] =	ssyncset.done @!p0 $0x0  }
0x18f: {  	[sflag:s0] =	ssyncadd.s32 @!p0 s1  }
0x190: {  	[bflag:$0x3] =	sbarrier.arrive $0xFFFF  }
0x191: {  	_ =	shalt  }

</sc_bundles>
